<compile_context>
chip_gen: v7x
topology: tpu7x:2x2x1
jax: 0.10.2.dev20260603
libtpu: 0.0.44.dev20260713+nightly
codegen_flags: <defaults>
</compile_context>

<pallas_src>
import functools

import jax
import jax.numpy as jnp
from jax import lax
from jax.experimental import pallas as pl
from jax.experimental.pallas import tpu as pltpu
from jax.experimental.pallas import tpu_sc as plsc

_LANE = 128
_SUB = 8
_CHUNK_COLS = 3584
_NBUF = 4


def _taper_sizes(tiles, c_tiles):
    if tiles <= 2 * c_tiles:
        sizes = []
        left = tiles
        while left > 0:
            sz = min(c_tiles, left)
            sizes.append(sz)
            left -= sz
        return sizes
    head = [max(c_tiles // 4, 1), max(c_tiles // 2, 1)]
    tail_sz = max(c_tiles // 2, 1)
    mid = tiles - sum(head) - tail_sz
    n_full, rem = divmod(mid, c_tiles)
    sizes = head + [c_tiles] * n_full
    if rem:
        sizes.append(rem)
    sizes.append(tail_sz)
    return sizes


def _quarter_chunks(n, nq):
    tiles = n // _LANE
    tail = n - tiles * _LANE
    base_t, rem_t = divmod(tiles, nq)
    quarters = []
    t0 = 0
    for q in range(nq):
        tq = base_t + (1 if q < rem_t else 0)
        chunks = []
        off = t0 * _LANE
        for sz_t in _taper_sizes(tq, _CHUNK_COLS // _LANE):
            chunks.append((off, sz_t * _LANE))
            off += sz_t * _LANE
        quarters.append(chunks)
        t0 += tq
    return quarters, (t0 * _LANE, tail)


def _make_copy_kernel(d, n, dtype):
    info = plsc.get_sparse_core_info()
    nc, ns = info.num_cores, info.num_subcores
    nw = nc * ns
    rb = d // _SUB
    nq = nw // rb
    assert rb * _SUB == d and nq * rb == nw
    quarters, (tail_off, tail) = _quarter_chunks(n, nq)
    mesh = plsc.VectorSubcoreMesh(core_axis_name="c", subcore_axis_name="s")

    scratch = [pltpu.VMEM((_SUB, _CHUNK_COLS), dtype) for _ in range(_NBUF)]
    if tail:
        scratch.append(pltpu.VMEM((_SUB, tail), dtype))
    scratch += [pltpu.SemaphoreType.DMA for _ in range(2 * _NBUF)]

    @functools.partial(
        pl.kernel,
        mesh=mesh,
        out_type=jax.ShapeDtypeStruct((d, n), dtype),
        scratch_types=scratch,
    )
    def copy_k(tbl_hbm, out_hbm, *refs):
        bufs = list(refs[:_NBUF])
        rest = refs[_NBUF:]
        if tail:
            tbuf, rest = rest[0], rest[1:]
        isems = list(rest[:_NBUF])
        osems = list(rest[_NBUF:])
        wid = lax.axis_index("s") * nc + lax.axis_index("c")
        q = wid // rb
        rows = pl.ds((wid % rb) * _SUB, _SUB)

        def vbuf(b, sz):
            return bufs[b] if sz == _CHUNK_COLS else bufs[b].at[:, pl.ds(0, sz)]

        def run_quarter(chunks, do_tail):
            nch = len(chunks)
            loads = [None] * nch
            stores = [None] * nch

            def start_load(k):
                off, sz = chunks[k]
                loads[k] = pltpu.make_async_copy(
                    tbl_hbm.at[rows, pl.ds(off, sz)],
                    vbuf(k % _NBUF, sz), isems[k % _NBUF])
                loads[k].start()

            for k in range(min(_NBUF, nch)):
                start_load(k)
            for k in range(nch):
                off, sz = chunks[k]
                b = k % _NBUF
                loads[k].wait()
                stores[k] = pltpu.make_async_copy(
                    vbuf(b, sz), out_hbm.at[rows, pl.ds(off, sz)], osems[b])
                stores[k].start()
                j = k + _NBUF
                if j < nch:
                    stores[k].wait()
                    start_load(j)
            for k in range(max(nch - _NBUF, 0), nch):
                stores[k].wait()
            if do_tail:
                tin = pltpu.make_async_copy(
                    tbl_hbm.at[rows, pl.ds(tail_off, tail)], tbuf, isems[0])
                tin.start()
                tin.wait()
                tout = pltpu.make_async_copy(
                    tbuf, out_hbm.at[rows, pl.ds(tail_off, tail)], osems[0])
                tout.start()
                tout.wait()

        for qi in range(nq):
            do_tail = bool(tail) and qi == nq - 1
            pl.when(q == qi)(
                functools.partial(run_quarter, quarters[qi], do_tail))

    return copy_k


def kernel(feature_num, emb_weight):
    del feature_num
    n, d = emb_weight.shape
    copy_k = _make_copy_kernel(d, n, emb_weight.dtype)
    return copy_k(emb_weight.T).T

# --- scband reference (transcript-rebuilt; emitter-appended) ---
"""Pipeline reference for scband-absolute-feature-positional-encoding-24223615549802 (READ-ONLY COPY).

The authoritative reference and input builder live on the scoring server;
editing this copy changes nothing except your own understanding.
"""

import jax, jax.numpy as jnp
import numpy as np

FEATURE_NUM = 100000
D_EMB = 64

def setup_inputs(seed: int = 0) -> dict:
    key = jax.random.key(seed)
    k_emb, _ = jax.random.split(key)
    emb_weight = jax.random.normal(k_emb, (FEATURE_NUM, D_EMB), dtype=jnp.float32)
    return {"feature_num": 100000, "emb_weight": emb_weight}

def reference(feature_num, emb_weight):
    # forward: self.emb(torch.arange(feature_num)) -> gather rows [0, feature_num)
    idx_dtype = jnp.int64 if jax.config.jax_enable_x64 else jnp.int32
    n = emb_weight.shape[0]
    idx = jnp.arange(n, dtype=idx_dtype)
    idx = idx + (jnp.asarray(feature_num, dtype=idx_dtype) - jnp.asarray(n, dtype=idx_dtype))
    return jnp.take(emb_weight, idx, axis=0)

if __name__ == "__main__":
    import jax
    _d = setup_inputs()
    print(jax.jit(kernel)(*tuple(_d.values())))

</pallas_src>

<mosaic_0001>
#map = affine_map<(d0, d1) -> (0, 0)>
module attributes {stable_mosaic.version = 14 : i64} {
  func.func @copy_k(%arg0: i32, %arg1: i32, %arg2: memref<64x100000xf32, #tpu.memory_space<hbm>>, %arg3: memref<64x100000xf32, #tpu.memory_space<hbm>>, %arg4: memref<8x3584xf32, #tpu.memory_space<vmem>>, %arg5: memref<8x3584xf32, #tpu.memory_space<vmem>>, %arg6: memref<8x3584xf32, #tpu.memory_space<vmem>>, %arg7: memref<8x3584xf32, #tpu.memory_space<vmem>>, %arg8: memref<8x32xf32, #tpu.memory_space<vmem>>, %arg9: memref<!tpu.dma_semaphore, #tpu.memory_space<semaphore_mem>>, %arg10: memref<!tpu.dma_semaphore, #tpu.memory_space<semaphore_mem>>, %arg11: memref<!tpu.dma_semaphore, #tpu.memory_space<semaphore_mem>>, %arg12: memref<!tpu.dma_semaphore, #tpu.memory_space<semaphore_mem>>, %arg13: memref<!tpu.dma_semaphore, #tpu.memory_space<semaphore_mem>>, %arg14: memref<!tpu.dma_semaphore, #tpu.memory_space<semaphore_mem>>, %arg15: memref<!tpu.dma_semaphore, #tpu.memory_space<semaphore_mem>>, %arg16: memref<!tpu.dma_semaphore, #tpu.memory_space<semaphore_mem>>) attributes {dimension_semantics = [#tpu.dimension_semantics<core_parallel>, #tpu.dimension_semantics<subcore_parallel>], iteration_bounds = array<i64: 2, 16>, scalar_prefetch = 0 : i64, scratch_operands = 13 : i64, tpu.core_type = #tpu.core_type<sc_vector_subcore>, window_params = [{transform_indices = #map}, {transform_indices = #map}]} {
    %mul3A = arith.constant 2 : i32
    %mul3A_0 = arith.muli %arg1, %mul3A : i32
    %add3A = arith.addi %mul3A_0, %arg0 : i32
    %jit3A = arith.constant 8 : i32
    %div3A = arith.divsi %add3A, %jit3A : i32
    %sign3A = arith.constant 0 : i32
    %sign3A_1 = arith.cmpi sgt, %add3A, %sign3A : i32
    %sign3A_2 = arith.extui %sign3A_1 : i1 to i32
    %sign3A_3 = arith.constant 0 : i32
    %sign3A_4 = arith.cmpi slt, %add3A, %sign3A_3 : i32
    %sign3A_5 = arith.extui %sign3A_4 : i1 to i32
    %sign3A_6 = arith.subi %sign3A_2, %sign3A_5 : i32
    %sign3A_7 = arith.constant 0 : i32
    %sign3A_8 = arith.cmpi sgt, %jit3A, %sign3A_7 : i32
    %sign3A_9 = arith.extui %sign3A_8 : i1 to i32
    %sign3A_10 = arith.constant 0 : i32
    %sign3A_11 = arith.cmpi slt, %jit3A, %sign3A_10 : i32
    %sign3A_12 = arith.extui %sign3A_11 : i1 to i32
    %sign3A_13 = arith.subi %sign3A_9, %sign3A_12 : i32
    %ne3A = arith.cmpi ne, %sign3A_6, %sign3A_13 : i32
    %rem3A = arith.remsi %add3A, %jit3A : i32
    %ne3A_14 = arith.constant 0 : i32
    %ne3A_15 = arith.cmpi ne, %rem3A, %ne3A_14 : i32
    %and3A = arith.andi %ne3A, %ne3A_15 : i1
    %sub3A = arith.constant 1 : i32
    %sub3A_16 = arith.subi %div3A, %sub3A : i32
    %select_n3A = arith.select %and3A, %sub3A_16, %div3A : i32
    %jit3A_17 = arith.constant 8 : i32
    %eq3A = arith.constant 0 : i32
    %eq3A_18 = arith.cmpi eq, %jit3A_17, %eq3A : i32
    %jit3A_19 = arith.constant 1 : i32
    %select_n3A_20 = arith.select %eq3A_18, %jit3A_19, %jit3A_17 : i32
    %rem3A_21 = arith.remsi %add3A, %select_n3A_20 : i32
    %ne3A_22 = arith.constant 0 : i32
    %ne3A_23 = arith.cmpi ne, %rem3A_21, %ne3A_22 : i32
    %lt3A = arith.constant 0 : i32
    %lt3A_24 = arith.cmpi slt, %rem3A_21, %lt3A : i32
    %lt3A_25 = arith.constant 0 : i32
    %lt3A_26 = arith.cmpi slt, %select_n3A_20, %lt3A_25 : i32
    %ne3A_27 = arith.xori %lt3A_24, %lt3A_26 : i1
    %and3A_28 = arith.andi %ne3A_27, %ne3A_23 : i1
    %add3A_29 = arith.addi %rem3A_21, %select_n3A_20 : i32
    %select_n3A_30 = arith.select %and3A_28, %add3A_29, %rem3A_21 : i32
    %mul3A_31 = arith.constant 8 : i32
    %mul3A_32 = arith.muli %select_n3A_30, %mul3A_31 : i32
    %eq3A_33 = arith.constant 0 : i32
    %eq3A_34 = arith.cmpi eq, %select_n3A, %eq3A_33 : i32
    %convert_element_type3A = arith.extui %eq3A_34 : i1 to i32
    %cond3A = arith.constant 0 : i32
    %cond3A_35 = arith.cmpi ne, %convert_element_type3A, %cond3A : i32
    scf.if %cond3A_35 {
      %dma_start3A = arith.constant 0 : i32
      %dma_start3A_51 = arith.constant 0 : i32
      %dma_start3A_52 = tpu.memref_slice %arg4[%dma_start3A, %dma_start3A_51] : memref<8x3584xf32, #tpu.memory_space<vmem>> -> memref<8x896xf32, #tpu.memory_space<vmem>>
      %dma_start3A_53 = arith.constant 0 : i32
      %dma_start3A_54 = tpu.memref_slice %arg2[%mul3A_32, %dma_start3A_53] : memref<64x100000xf32, #tpu.memory_space<hbm>> -> memref<8x896xf32, #tpu.memory_space<hbm>>
      %dma_start3A_55 = arith.constant 0 : i32
      %dma_start3A_56 = arith.constant 0 : i32
      %dma_start3A_57 = tpu.memref_slice %arg4[%dma_start3A_55, %dma_start3A_56] : memref<8x3584xf32, #tpu.memory_space<vmem>> -> memref<8x896xf32, #tpu.memory_space<vmem>>
      %dma_start3A_58 = arith.constant 0 : i32
      %dma_start3A_59 = tpu.memref_slice %arg2[%mul3A_32, %dma_start3A_58] : memref<64x100000xf32, #tpu.memory_space<hbm>> -> memref<8x896xf32, #tpu.memory_space<hbm>>
      tpu.enqueue_dma source(%dma_start3A_59 : memref<8x896xf32, #tpu.memory_space<hbm>>) target(%dma_start3A_57 : memref<8x896xf32, #tpu.memory_space<vmem>>) target_semaphore(%arg9 : memref<!tpu.dma_semaphore, #tpu.memory_space<semaphore_mem>>)
      %dma_start3A_60 = arith.constant 0 : i32
      %dma_start3A_61 = arith.constant 0 : i32
      %dma_start3A_62 = tpu.memref_slice %arg5[%dma_start3A_60, %dma_start3A_61] : memref<8x3584xf32, #tpu.memory_space<vmem>> -> memref<8x1792xf32, #tpu.memory_space<vmem>>
      %dma_start3A_63 = arith.constant 896 : i32
      %dma_start3A_64 = tpu.memref_slice %arg2[%mul3A_32, %dma_start3A_63] : memref<64x100000xf32, #tpu.memory_space<hbm>> -> memref<8x1792xf32, #tpu.memory_space<hbm>>
      %dma_start3A_65 = arith.constant 0 : i32
      %dma_start3A_66 = arith.constant 0 : i32
      %dma_start3A_67 = tpu.memref_slice %arg5[%dma_start3A_65, %dma_start3A_66] : memref<8x3584xf32, #tpu.memory_space<vmem>> -> memref<8x1792xf32, #tpu.memory_space<vmem>>
      %dma_start3A_68 = arith.constant 896 : i32
      %dma_start3A_69 = tpu.memref_slice %arg2[%mul3A_32, %dma_start3A_68] : memref<64x100000xf32, #tpu.memory_space<hbm>> -> memref<8x1792xf32, #tpu.memory_space<hbm>>
      tpu.enqueue_dma source(%dma_start3A_69 : memref<8x1792xf32, #tpu.memory_space<hbm>>) target(%dma_start3A_67 : memref<8x1792xf32, #tpu.memory_space<vmem>>) target_semaphore(%arg10 : memref<!tpu.dma_semaphore, #tpu.memory_space<semaphore_mem>>)
      %dma_start3A_70 = arith.constant 2688 : i32
      %dma_start3A_71 = tpu.memref_slice %arg2[%mul3A_32, %dma_start3A_70] : memref<64x100000xf32, #tpu.memory_space<hbm>> -> memref<8x3584xf32, #tpu.memory_space<hbm>>
      %dma_start3A_72 = arith.constant 2688 : i32
      %dma_start3A_73 = tpu.memref_slice %arg2[%mul3A_32, %dma_start3A_72] : memref<64x100000xf32, #tpu.memory_space<hbm>> -> memref<8x3584xf32, #tpu.memory_space<hbm>>
      tpu.enqueue_dma source(%dma_start3A_73 : memref<8x3584xf32, #tpu.memory_space<hbm>>) target(%arg6 : memref<8x3584xf32, #tpu.memory_space<vmem>>) target_semaphore(%arg11 : memref<!tpu.dma_semaphore, #tpu.memory_space<semaphore_mem>>)
      %dma_start3A_74 = arith.constant 6272 : i32
      %dma_start3A_75 = tpu.memref_slice %arg2[%mul3A_32, %dma_start3A_74] : memref<64x100000xf32, #tpu.memory_space<hbm>> -> memref<8x3584xf32, #tpu.memory_space<hbm>>
      %dma_start3A_76 = arith.constant 6272 : i32
      %dma_start3A_77 = tpu.memref_slice %arg2[%mul3A_32, %dma_start3A_76] : memref<64x100000xf32, #tpu.memory_space<hbm>> -> memref<8x3584xf32, #tpu.memory_space<hbm>>
      tpu.enqueue_dma source(%dma_start3A_77 : memref<8x3584xf32, #tpu.memory_space<hbm>>) target(%arg7 : memref<8x3584xf32, #tpu.memory_space<vmem>>) target_semaphore(%arg12 : memref<!tpu.dma_semaphore, #tpu.memory_space<semaphore_mem>>)
      %dma_wait3A = arith.constant 0 : i32
      %dma_wait3A_78 = arith.constant 0 : i32
      %dma_wait3A_79 = tpu.memref_slice %arg4[%dma_wait3A, %dma_wait3A_78] : memref<8x3584xf32, #tpu.memory_space<vmem>> -> memref<8x896xf32, #tpu.memory_space<vmem>>
      %dma_wait3A_80 = arith.constant 0 : i32
      %dma_wait3A_81 = tpu.memref_slice %arg2[%mul3A_32, %dma_wait3A_80] : memref<64x100000xf32, #tpu.memory_space<hbm>> -> memref<8x896xf32, #tpu.memory_space<hbm>>
      %dma_wait3A_82 = arith.constant 0 : i32
      %dma_wait3A_83 = arith.constant 0 : i32
      %dma_wait3A_84 = tpu.memref_slice %arg4[%dma_wait3A_82, %dma_wait3A_83] : memref<8x3584xf32, #tpu.memory_space<vmem>> -> memref<8x896xf32, #tpu.memory_space<vmem>>
      %dma_wait3A_85 = arith.constant 0 : i32
      %dma_wait3A_86 = tpu.memref_slice %arg2[%mul3A_32, %dma_wait3A_85] : memref<64x100000xf32, #tpu.memory_space<hbm>> -> memref<8x896xf32, #tpu.memory_space<hbm>>
      tpu.wait_dma2 semaphore(%arg9 : memref<!tpu.dma_semaphore, #tpu.memory_space<semaphore_mem>>) src(%dma_wait3A_86 : memref<8x896xf32, #tpu.memory_space<hbm>>) dst(%dma_wait3A_84 : memref<8x896xf32, #tpu.memory_space<vmem>>)
      %dma_start3A_87 = arith.constant 0 : i32
      %dma_start3A_88 = arith.constant 0 : i32
      %dma_start3A_89 = tpu.memref_slice %arg4[%dma_start3A_87, %dma_start3A_88] : memref<8x3584xf32, #tpu.memory_space<vmem>> -> memref<8x896xf32, #tpu.memory_space<vmem>>
      %dma_start3A_90 = arith.constant 0 : i32
      %dma_start3A_91 = tpu.memref_slice %arg3[%mul3A_32, %dma_start3A_90] : memref<64x100000xf32, #tpu.memory_space<hbm>> -> memref<8x896xf32, #tpu.memory_space<hbm>>
      %dma_start3A_92 = arith.constant 0 : i32
      %dma_start3A_93 = tpu.memref_slice %arg3[%mul3A_32, %dma_start3A_92] : memref<64x100000xf32, #tpu.memory_space<hbm>> -> memref<8x896xf32, #tpu.memory_space<hbm>>
      %dma_start3A_94 = arith.constant 0 : i32
      %dma_start3A_95 = arith.constant 0 : i32
      %dma_start3A_96 = tpu.memref_slice %arg4[%dma_start3A_94, %dma_start3A_95] : memref<8x3584xf32, #tpu.memory_space<vmem>> -> memref<8x896xf32, #tpu.memory_space<vmem>>
      tpu.enqueue_dma source(%dma_start3A_96 : memref<8x896xf32, #tpu.memory_space<vmem>>) target(%dma_start3A_93 : memref<8x896xf32, #tpu.memory_space<hbm>>) target_semaphore(%arg13 : memref<!tpu.dma_semaphore, #tpu.memory_space<semaphore_mem>>)
      %dma_wait3A_97 = arith.constant 0 : i32
      %dma_wait3A_98 = arith.constant 0 : i32
      %dma_wait3A_99 = tpu.memref_slice %arg4[%dma_wait3A_97, %dma_wait3A_98] : memref<8x3584xf32, #tpu.memory_space<vmem>> -> memref<8x896xf32, #tpu.memory_space<vmem>>
      %dma_wait3A_100 = arith.constant 0 : i32
      %dma_wait3A_101 = tpu.memref_slice %arg3[%mul3A_32, %dma_wait3A_100] : memref<64x100000xf32, #tpu.memory_space<hbm>> -> memref<8x896xf32, #tpu.memory_space<hbm>>
      %dma_wait3A_102 = arith.constant 0 : i32
      %dma_wait3A_103 = tpu.memref_slice %arg3[%mul3A_32, %dma_wait3A_102] : memref<64x100000xf32, #tpu.memory_space<hbm>> -> memref<8x896xf32, #tpu.memory_space<hbm>>
      %dma_wait3A_104 = arith.constant 0 : i32
      %dma_wait3A_105 = arith.constant 0 : i32
      %dma_wait3A_106 = tpu.memref_slice %arg4[%dma_wait3A_104, %dma_wait3A_105] : memref<8x3584xf32, #tpu.memory_space<vmem>> -> memref<8x896xf32, #tpu.memory_space<vmem>>
      tpu.wait_dma2 semaphore(%arg13 : memref<!tpu.dma_semaphore, #tpu.memory_space<semaphore_mem>>) src(%dma_wait3A_106 : memref<8x896xf32, #tpu.memory_space<vmem>>) dst(%dma_wait3A_103 : memref<8x896xf32, #tpu.memory_space<hbm>>)
      %dma_start3A_107 = arith.constant 9856 : i32
      %dma_start3A_108 = tpu.memref_slice %arg2[%mul3A_32, %dma_start3A_107] : memref<64x100000xf32, #tpu.memory_space<hbm>> -> memref<8x3584xf32, #tpu.memory_space<hbm>>
      %dma_start3A_109 = arith.constant 9856 : i32
      %dma_start3A_110 = tpu.memref_slice %arg2[%mul3A_32, %dma_start3A_109] : memref<64x100000xf32, #tpu.memory_space<hbm>> -> memref<8x3584xf32, #tpu.memory_space<hbm>>
      tpu.enqueue_dma source(%dma_start3A_110 : memref<8x3584xf32, #tpu.memory_space<hbm>>) target(%arg4 : memref<8x3584xf32, #tpu.memory_space<vmem>>) target_semaphore(%arg9 : memref<!tpu.dma_semaphore, #tpu.memory_space<semaphore_mem>>)
      %dma_wait3A_111 = arith.constant 0 : i32
      %dma_wait3A_112 = arith.constant 0 : i32
      %dma_wait3A_113 = tpu.memref_slice %arg5[%dma_wait3A_111, %dma_wait3A_112] : memref<8x3584xf32, #tpu.memory_space<vmem>> -> memref<8x1792xf32, #tpu.memory_space<vmem>>
      %dma_wait3A_114 = arith.constant 896 : i32
      %dma_wait3A_115 = tpu.memref_slice %arg2[%mul3A_32, %dma_wait3A_114] : memref<64x100000xf32, #tpu.memory_space<hbm>> -> memref<8x1792xf32, #tpu.memory_space<hbm>>
      %dma_wait3A_116 = arith.constant 0 : i32
      %dma_wait3A_117 = arith.constant 0 : i32
      %dma_wait3A_118 = tpu.memref_slice %arg5[%dma_wait3A_116, %dma_wait3A_117] : memref<8x3584xf32, #tpu.memory_space<vmem>> -> memref<8x1792xf32, #tpu.memory_space<vmem>>
      %dma_wait3A_119 = arith.constant 896 : i32
      %dma_wait3A_120 = tpu.memref_slice %arg2[%mul3A_32, %dma_wait3A_119] : memref<64x100000xf32, #tpu.memory_space<hbm>> -> memref<8x1792xf32, #tpu.memory_space<hbm>>
      tpu.wait_dma2 semaphore(%arg10 : memref<!tpu.dma_semaphore, #tpu.memory_space<semaphore_mem>>) src(%dma_wait3A_120 : memref<8x1792xf32, #tpu.memory_space<hbm>>) dst(%dma_wait3A_118 : memref<8x1792xf32, #tpu.memory_space<vmem>>)
      %dma_start3A_121 = arith.constant 0 : i32
      %dma_start3A_122 = arith.constant 0 : i32
      %dma_start3A_123 = tpu.memref_slice %arg5[%dma_start3A_121, %dma_start3A_122] : memref<8x3584xf32, #tpu.memory_space<vmem>> -> memref<8x1792xf32, #tpu.memory_space<vmem>>
      %dma_start3A_124 = arith.constant 896 : i32
      %dma_start3A_125 = tpu.memref_slice %arg3[%mul3A_32, %dma_start3A_124] : memref<64x100000xf32, #tpu.memory_space<hbm>> -> memref<8x1792xf32, #tpu.memory_space<hbm>>
      %dma_start3A_126 = arith.constant 896 : i32
      %dma_start3A_127 = tpu.memref_slice %arg3[%mul3A_32, %dma_start3A_126] : memref<64x100000xf32, #tpu.memory_space<hbm>> -> memref<8x1792xf32, #tpu.memory_space<hbm>>
      %dma_start3A_128 = arith.constant 0 : i32
      %dma_start3A_129 = arith.constant 0 : i32
      %dma_start3A_130 = tpu.memref_slice %arg5[%dma_start3A_128, %dma_start3A_129] : memref<8x3584xf32, #tpu.memory_space<vmem>> -> memref<8x1792xf32, #tpu.memory_space<vmem>>
      tpu.enqueue_dma source(%dma_start3A_130 : memref<8x1792xf32, #tpu.memory_space<vmem>>) target(%dma_start3A_127 : memref<8x1792xf32, #tpu.memory_space<hbm>>) target_semaphore(%arg14 : memref<!tpu.dma_semaphore, #tpu.memory_space<semaphore_mem>>)
      %dma_wait3A_131 = arith.constant 0 : i32
      %dma_wait3A_132 = arith.constant 0 : i32
      %dma_wait3A_133 = tpu.memref_slice %arg5[%dma_wait3A_131, %dma_wait3A_132] : memref<8x3584xf32, #tpu.memory_space<vmem>> -> memref<8x1792xf32, #tpu.memory_space<vmem>>
      %dma_wait3A_134 = arith.constant 896 : i32
      %dma_wait3A_135 = tpu.memref_slice %arg3[%mul3A_32, %dma_wait3A_134] : memref<64x100000xf32, #tpu.memory_space<hbm>> -> memref<8x1792xf32, #tpu.memory_space<hbm>>
      %dma_wait3A_136 = arith.constant 896 : i32
      %dma_wait3A_137 = tpu.memref_slice %arg3[%mul3A_32, %dma_wait3A_136] : memref<64x100000xf32, #tpu.memory_space<hbm>> -> memref<8x1792xf32, #tpu.memory_space<hbm>>
      %dma_wait3A_138 = arith.constant 0 : i32
      %dma_wait3A_139 = arith.constant 0 : i32
      %dma_wait3A_140 = tpu.memref_slice %arg5[%dma_wait3A_138, %dma_wait3A_139] : memref<8x3584xf32, #tpu.memory_space<vmem>> -> memref<8x1792xf32, #tpu.memory_space<vmem>>
      tpu.wait_dma2 semaphore(%arg14 : memref<!tpu.dma_semaphore, #tpu.memory_space<semaphore_mem>>) src(%dma_wait3A_140 : memref<8x1792xf32, #tpu.memory_space<vmem>>) dst(%dma_wait3A_137 : memref<8x1792xf32, #tpu.memory_space<hbm>>)
      %dma_start3A_141 = arith.constant 13440 : i32
      %dma_start3A_142 = tpu.memref_slice %arg2[%mul3A_32, %dma_start3A_141] : memref<64x100000xf32, #tpu.memory_space<hbm>> -> memref<8x3584xf32, #tpu.memory_space<hbm>>
      %dma_start3A_143 = arith.constant 13440 : i32
      %dma_start3A_144 = tpu.memref_slice %arg2[%mul3A_32, %dma_start3A_143] : memref<64x100000xf32, #tpu.memory_space<hbm>> -> memref<8x3584xf32, #tpu.memory_space<hbm>>
      tpu.enqueue_dma source(%dma_start3A_144 : memref<8x3584xf32, #tpu.memory_space<hbm>>) target(%arg5 : memref<8x3584xf32, #tpu.memory_space<vmem>>) target_semaphore(%arg10 : memref<!tpu.dma_semaphore, #tpu.memory_space<semaphore_mem>>)
      %dma_wait3A_145 = arith.constant 2688 : i32
      %dma_wait3A_146 = tpu.memref_slice %arg2[%mul3A_32, %dma_wait3A_145] : memref<64x100000xf32, #tpu.memory_space<hbm>> -> memref<8x3584xf32, #tpu.memory_space<hbm>>
      %dma_wait3A_147 = arith.constant 2688 : i32
      %dma_wait3A_148 = tpu.memref_slice %arg2[%mul3A_32, %dma_wait3A_147] : memref<64x100000xf32, #tpu.memory_space<hbm>> -> memref<8x3584xf32, #tpu.memory_space<hbm>>
      tpu.wait_dma2 semaphore(%arg11 : memref<!tpu.dma_semaphore, #tpu.memory_space<semaphore_mem>>) src(%dma_wait3A_148 : memref<8x3584xf32, #tpu.memory_space<hbm>>) dst(%arg6 : memref<8x3584xf32, #tpu.memory_space<vmem>>)
      %dma_start3A_149 = arith.constant 2688 : i32
      %dma_start3A_150 = tpu.memref_slice %arg3[%mul3A_32, %dma_start3A_149] : memref<64x100000xf32, #tpu.memory_space<hbm>> -> memref<8x3584xf32, #tpu.memory_space<hbm>>
      %dma_start3A_151 = arith.constant 2688 : i32
      %dma_start3A_152 = tpu.memref_slice %arg3[%mul3A_32, %dma_start3A_151] : memref<64x100000xf32, #tpu.memory_space<hbm>> -> memref<8x3584xf32, #tpu.memory_space<hbm>>
      tpu.enqueue_dma source(%arg6 : memref<8x3584xf32, #tpu.memory_space<vmem>>) target(%dma_start3A_152 : memref<8x3584xf32, #tpu.memory_space<hbm>>) target_semaphore(%arg15 : memref<!tpu.dma_semaphore, #tpu.memory_space<semaphore_mem>>)
      %dma_wait3A_153 = arith.constant 2688 : i32
      %dma_wait3A_154 = tpu.memref_slice %arg3[%mul3A_32, %dma_wait3A_153] : memref<64x100000xf32, #tpu.memory_space<hbm>> -> memref<8x3584xf32, #tpu.memory_space<hbm>>
      %dma_wait3A_155 = arith.constant 2688 : i32
      %dma_wait3A_156 = tpu.memref_slice %arg3[%mul3A_32, %dma_wait3A_155] : memref<64x100000xf32, #tpu.memory_space<hbm>> -> memref<8x3584xf32, #tpu.memory_space<hbm>>
      tpu.wait_dma2 semaphore(%arg15 : memref<!tpu.dma_semaphore, #tpu.memory_space<semaphore_mem>>) src(%arg6 : memref<8x3584xf32, #tpu.memory_space<vmem>>) dst(%dma_wait3A_156 : memref<8x3584xf32, #tpu.memory_space<hbm>>)
      %dma_start3A_157 = arith.constant 17024 : i32
      %dma_start3A_158 = tpu.memref_slice %arg2[%mul3A_32, %dma_start3A_157] : memref<64x100000xf32, #tpu.memory_space<hbm>> -> memref<8x3584xf32, #tpu.memory_space<hbm>>
      %dma_start3A_159 = arith.constant 17024 : i32
      %dma_start3A_160 = tpu.memref_slice %arg2[%mul3A_32, %dma_start3A_159] : memref<64x100000xf32, #tpu.memory_space<hbm>> -> memref<8x3584xf32, #tpu.memory_space<hbm>>
      tpu.enqueue_dma source(%dma_start3A_160 : memref<8x3584xf32, #tpu.memory_space<hbm>>) target(%arg6 : memref<8x3584xf32, #tpu.memory_space<vmem>>) target_semaphore(%arg11 : memref<!tpu.dma_semaphore, #tpu.memory_space<semaphore_mem>>)
      %dma_wait3A_161 = arith.constant 6272 : i32
      %dma_wait3A_162 = tpu.memref_slice %arg2[%mul3A_32, %dma_wait3A_161] : memref<64x100000xf32, #tpu.memory_space<hbm>> -> memref<8x3584xf32, #tpu.memory_space<hbm>>
      %dma_wait3A_163 = arith.constant 6272 : i32
      %dma_wait3A_164 = tpu.memref_slice %arg2[%mul3A_32, %dma_wait3A_163] : memref<64x100000xf32, #tpu.memory_space<hbm>> -> memref<8x3584xf32, #tpu.memory_space<hbm>>
      tpu.wait_dma2 semaphore(%arg12 : memref<!tpu.dma_semaphore, #tpu.memory_space<semaphore_mem>>) src(%dma_wait3A_164 : memref<8x3584xf32, #tpu.memory_space<hbm>>) dst(%arg7 : memref<8x3584xf32, #tpu.memory_space<vmem>>)
      %dma_start3A_165 = arith.constant 6272 : i32
      %dma_start3A_166 = tpu.memref_slice %arg3[%mul3A_32, %dma_start3A_165] : memref<64x100000xf32, #tpu.memory_space<hbm>> -> memref<8x3584xf32, #tpu.memory_space<hbm>>
      %dma_start3A_167 = arith.constant 6272 : i32
      %dma_start3A_168 = tpu.memref_slice %arg3[%mul3A_32, %dma_start3A_167] : memref<64x100000xf32, #tpu.memory_space<hbm>> -> memref<8x3584xf32, #tpu.memory_space<hbm>>
      tpu.enqueue_dma source(%arg7 : memref<8x3584xf32, #tpu.memory_space<vmem>>) target(%dma_start3A_168 : memref<8x3584xf32, #tpu.memory_space<hbm>>) target_semaphore(%arg16 : memref<!tpu.dma_semaphore, #tpu.memory_space<semaphore_mem>>)
      %dma_wait3A_169 = arith.constant 6272 : i32
      %dma_wait3A_170 = tpu.memref_slice %arg3[%mul3A_32, %dma_wait3A_169] : memref<64x100000xf32, #tpu.memory_space<hbm>> -> memref<8x3584xf32, #tpu.memory_space<hbm>>
      %dma_wait3A_171 = arith.constant 6272 : i32
      %dma_wait3A_172 = tpu.memref_slice %arg3[%mul3A_32, %dma_wait3A_171] : memref<64x100000xf32, #tpu.memory_space<hbm>> -> memref<8x3584xf32, #tpu.memory_space<hbm>>
      tpu.wait_dma2 semaphore(%arg16 : memref<!tpu.dma_semaphore, #tpu.memory_space<semaphore_mem>>) src(%arg7 : memref<8x3584xf32, #tpu.memory_space<vmem>>) dst(%dma_wait3A_172 : memref<8x3584xf32, #tpu.memory_space<hbm>>)
      %dma_start3A_173 = arith.constant 0 : i32
      %dma_start3A_174 = arith.constant 0 : i32
      %dma_start3A_175 = tpu.memref_slice %arg7[%dma_start3A_173, %dma_start3A_174] : memref<8x3584xf32, #tpu.memory_space<vmem>> -> memref<8x2688xf32, #tpu.memory_space<vmem>>
      %dma_start3A_176 = arith.constant 20608 : i32
      %dma_start3A_177 = tpu.memref_slice %arg2[%mul3A_32, %dma_start3A_176] : memref<64x100000xf32, #tpu.memory_space<hbm>> -> memref<8x2688xf32, #tpu.memory_space<hbm>>
      %dma_start3A_178 = arith.constant 0 : i32
      %dma_start3A_179 = arith.constant 0 : i32
      %dma_start3A_180 = tpu.memref_slice %arg7[%dma_start3A_178, %dma_start3A_179] : memref<8x3584xf32, #tpu.memory_space<vmem>> -> memref<8x2688xf32, #tpu.memory_space<vmem>>
      %dma_start3A_181 = arith.constant 20608 : i32
      %dma_start3A_182 = tpu.memref_slice %arg2[%mul3A_32, %dma_start3A_181] : memref<64x100000xf32, #tpu.memory_space<hbm>> -> memref<8x2688xf32, #tpu.memory_space<hbm>>
      tpu.enqueue_dma source(%dma_start3A_182 : memref<8x2688xf32, #tpu.memory_space<hbm>>) target(%dma_start3A_180 : memref<8x2688xf32, #tpu.memory_space<vmem>>) target_semaphore(%arg12 : memref<!tpu.dma_semaphore, #tpu.memory_space<semaphore_mem>>)
      %dma_wait3A_183 = arith.constant 9856 : i32
      %dma_wait3A_184 = tpu.memref_slice %arg2[%mul3A_32, %dma_wait3A_183] : memref<64x100000xf32, #tpu.memory_space<hbm>> -> memref<8x3584xf32, #tpu.memory_space<hbm>>
      %dma_wait3A_185 = arith.constant 9856 : i32
      %dma_wait3A_186 = tpu.memref_slice %arg2[%mul3A_32, %dma_wait3A_185] : memref<64x100000xf32, #tpu.memory_space<hbm>> -> memref<8x3584xf32, #tpu.memory_space<hbm>>
      tpu.wait_dma2 semaphore(%arg9 : memref<!tpu.dma_semaphore, #tpu.memory_space<semaphore_mem>>) src(%dma_wait3A_186 : memref<8x3584xf32, #tpu.memory_space<hbm>>) dst(%arg4 : memref<8x3584xf32, #tpu.memory_space<vmem>>)
      %dma_start3A_187 = arith.constant 9856 : i32
      %dma_start3A_188 = tpu.memref_slice %arg3[%mul3A_32, %dma_start3A_187] : memref<64x100000xf32, #tpu.memory_space<hbm>> -> memref<8x3584xf32, #tpu.memory_space<hbm>>
      %dma_start3A_189 = arith.constant 9856 : i32
      %dma_start3A_190 = tpu.memref_slice %arg3[%mul3A_32, %dma_start3A_189] : memref<64x100000xf32, #tpu.memory_space<hbm>> -> memref<8x3584xf32, #tpu.memory_space<hbm>>
      tpu.enqueue_dma source(%arg4 : memref<8x3584xf32, #tpu.memory_space<vmem>>) target(%dma_start3A_190 : memref<8x3584xf32, #tpu.memory_space<hbm>>) target_semaphore(%arg13 : memref<!tpu.dma_semaphore, #tpu.memory_space<semaphore_mem>>)
      %dma_wait3A_191 = arith.constant 9856 : i32
      %dma_wait3A_192 = tpu.memref_slice %arg3[%mul3A_32, %dma_wait3A_191] : memref<64x100000xf32, #tpu.memory_space<hbm>> -> memref<8x3584xf32, #tpu.memory_space<hbm>>
      %dma_wait3A_193 = arith.constant 9856 : i32
      %dma_wait3A_194 = tpu.memref_slice %arg3[%mul3A_32, %dma_wait3A_193] : memref<64x100000xf32, #tpu.memory_space<hbm>> -> memref<8x3584xf32, #tpu.memory_space<hbm>>
      tpu.wait_dma2 semaphore(%arg13 : memref<!tpu.dma_semaphore, #tpu.memory_space<semaphore_mem>>) src(%arg4 : memref<8x3584xf32, #tpu.memory_space<vmem>>) dst(%dma_wait3A_194 : memref<8x3584xf32, #tpu.memory_space<hbm>>)
      %dma_start3A_195 = arith.constant 0 : i32
      %dma_start3A_196 = arith.constant 0 : i32
      %dma_start3A_197 = tpu.memref_slice %arg4[%dma_start3A_195, %dma_start3A_196] : memref<8x3584xf32, #tpu.memory_space<vmem>> -> memref<8x1792xf32, #tpu.memory_space<vmem>>
      %dma_start3A_198 = arith.constant 23296 : i32
      %dma_start3A_199 = tpu.memref_slice %arg2[%mul3A_32, %dma_start3A_198] : memref<64x100000xf32, #tpu.memory_space<hbm>> -> memref<8x1792xf32, #tpu.memory_space<hbm>>
      %dma_start3A_200 = arith.constant 0 : i32
      %dma_start3A_201 = arith.constant 0 : i32
      %dma_start3A_202 = tpu.memref_slice %arg4[%dma_start3A_200, %dma_start3A_201] : memref<8x3584xf32, #tpu.memory_space<vmem>> -> memref<8x1792xf32, #tpu.memory_space<vmem>>
      %dma_start3A_203 = arith.constant 23296 : i32
      %dma_start3A_204 = tpu.memref_slice %arg2[%mul3A_32, %dma_start3A_203] : memref<64x100000xf32, #tpu.memory_space<hbm>> -> memref<8x1792xf32, #tpu.memory_space<hbm>>
      tpu.enqueue_dma source(%dma_start3A_204 : memref<8x1792xf32, #tpu.memory_space<hbm>>) target(%dma_start3A_202 : memref<8x1792xf32, #tpu.memory_space<vmem>>) target_semaphore(%arg9 : memref<!tpu.dma_semaphore, #tpu.memory_space<semaphore_mem>>)
      %dma_wait3A_205 = arith.constant 13440 : i32
      %dma_wait3A_206 = tpu.memref_slice %arg2[%mul3A_32, %dma_wait3A_205] : memref<64x100000xf32, #tpu.memory_space<hbm>> -> memref<8x3584xf32, #tpu.memory_space<hbm>>
      %dma_wait3A_207 = arith.constant 13440 : i32
      %dma_wait3A_208 = tpu.memref_slice %arg2[%mul3A_32, %dma_wait3A_207] : memref<64x100000xf32, #tpu.memory_space<hbm>> -> memref<8x3584xf32, #tpu.memory_space<hbm>>
      tpu.wait_dma2 semaphore(%arg10 : memref<!tpu.dma_semaphore, #tpu.memory_space<semaphore_mem>>) src(%dma_wait3A_208 : memref<8x3584xf32, #tpu.memory_space<hbm>>) dst(%arg5 : memref<8x3584xf32, #tpu.memory_space<vmem>>)
      %dma_start3A_209 = arith.constant 13440 : i32
      %dma_start3A_210 = tpu.memref_slice %arg3[%mul3A_32, %dma_start3A_209] : memref<64x100000xf32, #tpu.memory_space<hbm>> -> memref<8x3584xf32, #tpu.memory_space<hbm>>
      %dma_start3A_211 = arith.constant 13440 : i32
      %dma_start3A_212 = tpu.memref_slice %arg3[%mul3A_32, %dma_start3A_211] : memref<64x100000xf32, #tpu.memory_space<hbm>> -> memref<8x3584xf32, #tpu.memory_space<hbm>>
      tpu.enqueue_dma source(%arg5 : memref<8x3584xf32, #tpu.memory_space<vmem>>) target(%dma_start3A_212 : memref<8x3584xf32, #tpu.memory_space<hbm>>) target_semaphore(%arg14 : memref<!tpu.dma_semaphore, #tpu.memory_space<semaphore_mem>>)
      %dma_wait3A_213 = arith.constant 17024 : i32
      %dma_wait3A_214 = tpu.memref_slice %arg2[%mul3A_32, %dma_wait3A_213] : memref<64x100000xf32, #tpu.memory_space<hbm>> -> memref<8x3584xf32, #tpu.memory_space<hbm>>
      %dma_wait3A_215 = arith.constant 17024 : i32
      %dma_wait3A_216 = tpu.memref_slice %arg2[%mul3A_32, %dma_wait3A_215] : memref<64x100000xf32, #tpu.memory_space<hbm>> -> memref<8x3584xf32, #tpu.memory_space<hbm>>
      tpu.wait_dma2 semaphore(%arg11 : memref<!tpu.dma_semaphore, #tpu.memory_space<semaphore_mem>>) src(%dma_wait3A_216 : memref<8x3584xf32, #tpu.memory_space<hbm>>) dst(%arg6 : memref<8x3584xf32, #tpu.memory_space<vmem>>)
      %dma_start3A_217 = arith.constant 17024 : i32
      %dma_start3A_218 = tpu.memref_slice %arg3[%mul3A_32, %dma_start3A_217] : memref<64x100000xf32, #tpu.memory_space<hbm>> -> memref<8x3584xf32, #tpu.memory_space<hbm>>
      %dma_start3A_219 = arith.constant 17024 : i32
      %dma_start3A_220 = tpu.memref_slice %arg3[%mul3A_32, %dma_start3A_219] : memref<64x100000xf32, #tpu.memory_space<hbm>> -> memref<8x3584xf32, #tpu.memory_space<hbm>>
      tpu.enqueue_dma source(%arg6 : memref<8x3584xf32, #tpu.memory_space<vmem>>) target(%dma_start3A_220 : memref<8x3584xf32, #tpu.memory_space<hbm>>) target_semaphore(%arg15 : memref<!tpu.dma_semaphore, #tpu.memory_space<semaphore_mem>>)
      %dma_wait3A_221 = arith.constant 0 : i32
      %dma_wait3A_222 = arith.constant 0 : i32
      %dma_wait3A_223 = tpu.memref_slice %arg7[%dma_wait3A_221, %dma_wait3A_222] : memref<8x3584xf32, #tpu.memory_space<vmem>> -> memref<8x2688xf32, #tpu.memory_space<vmem>>
      %dma_wait3A_224 = arith.constant 20608 : i32
      %dma_wait3A_225 = tpu.memref_slice %arg2[%mul3A_32, %dma_wait3A_224] : memref<64x100000xf32, #tpu.memory_space<hbm>> -> memref<8x2688xf32, #tpu.memory_space<hbm>>
      %dma_wait3A_226 = arith.constant 0 : i32
      %dma_wait3A_227 = arith.constant 0 : i32
      %dma_wait3A_228 = tpu.memref_slice %arg7[%dma_wait3A_226, %dma_wait3A_227] : memref<8x3584xf32, #tpu.memory_space<vmem>> -> memref<8x2688xf32, #tpu.memory_space<vmem>>
      %dma_wait3A_229 = arith.constant 20608 : i32
      %dma_wait3A_230 = tpu.memref_slice %arg2[%mul3A_32, %dma_wait3A_229] : memref<64x100000xf32, #tpu.memory_space<hbm>> -> memref<8x2688xf32, #tpu.memory_space<hbm>>
      tpu.wait_dma2 semaphore(%arg12 : memref<!tpu.dma_semaphore, #tpu.memory_space<semaphore_mem>>) src(%dma_wait3A_230 : memref<8x2688xf32, #tpu.memory_space<hbm>>) dst(%dma_wait3A_228 : memref<8x2688xf32, #tpu.memory_space<vmem>>)
      %dma_start3A_231 = arith.constant 0 : i32
      %dma_start3A_232 = arith.constant 0 : i32
      %dma_start3A_233 = tpu.memref_slice %arg7[%dma_start3A_231, %dma_start3A_232] : memref<8x3584xf32, #tpu.memory_space<vmem>> -> memref<8x2688xf32, #tpu.memory_space<vmem>>
      %dma_start3A_234 = arith.constant 20608 : i32
      %dma_start3A_235 = tpu.memref_slice %arg3[%mul3A_32, %dma_start3A_234] : memref<64x100000xf32, #tpu.memory_space<hbm>> -> memref<8x2688xf32, #tpu.memory_space<hbm>>
      %dma_start3A_236 = arith.constant 20608 : i32
      %dma_start3A_237 = tpu.memref_slice %arg3[%mul3A_32, %dma_start3A_236] : memref<64x100000xf32, #tpu.memory_space<hbm>> -> memref<8x2688xf32, #tpu.memory_space<hbm>>
      %dma_start3A_238 = arith.constant 0 : i32
      %dma_start3A_239 = arith.constant 0 : i32
      %dma_start3A_240 = tpu.memref_slice %arg7[%dma_start3A_238, %dma_start3A_239] : memref<8x3584xf32, #tpu.memory_space<vmem>> -> memref<8x2688xf32, #tpu.memory_space<vmem>>
      tpu.enqueue_dma source(%dma_start3A_240 : memref<8x2688xf32, #tpu.memory_space<vmem>>) target(%dma_start3A_237 : memref<8x2688xf32, #tpu.memory_space<hbm>>) target_semaphore(%arg16 : memref<!tpu.dma_semaphore, #tpu.memory_space<semaphore_mem>>)
      %dma_wait3A_241 = arith.constant 0 : i32
      %dma_wait3A_242 = arith.constant 0 : i32
      %dma_wait3A_243 = tpu.memref_slice %arg4[%dma_wait3A_241, %dma_wait3A_242] : memref<8x3584xf32, #tpu.memory_space<vmem>> -> memref<8x1792xf32, #tpu.memory_space<vmem>>
      %dma_wait3A_244 = arith.constant 23296 : i32
      %dma_wait3A_245 = tpu.memref_slice %arg2[%mul3A_32, %dma_wait3A_244] : memref<64x100000xf32, #tpu.memory_space<hbm>> -> memref<8x1792xf32, #tpu.memory_space<hbm>>
      %dma_wait3A_246 = arith.constant 0 : i32
      %dma_wait3A_247 = arith.constant 0 : i32
      %dma_wait3A_248 = tpu.memref_slice %arg4[%dma_wait3A_246, %dma_wait3A_247] : memref<8x3584xf32, #tpu.memory_space<vmem>> -> memref<8x1792xf32, #tpu.memory_space<vmem>>
      %dma_wait3A_249 = arith.constant 23296 : i32
      %dma_wait3A_250 = tpu.memref_slice %arg2[%mul3A_32, %dma_wait3A_249] : memref<64x100000xf32, #tpu.memory_space<hbm>> -> memref<8x1792xf32, #tpu.memory_space<hbm>>
      tpu.wait_dma2 semaphore(%arg9 : memref<!tpu.dma_semaphore, #tpu.memory_space<semaphore_mem>>) src(%dma_wait3A_250 : memref<8x1792xf32, #tpu.memory_space<hbm>>) dst(%dma_wait3A_248 : memref<8x1792xf32, #tpu.memory_space<vmem>>)
      %dma_start3A_251 = arith.constant 0 : i32
      %dma_start3A_252 = arith.constant 0 : i32
      %dma_start3A_253 = tpu.memref_slice %arg4[%dma_start3A_251, %dma_start3A_252] : memref<8x3584xf32, #tpu.memory_space<vmem>> -> memref<8x1792xf32, #tpu.memory_space<vmem>>
      %dma_start3A_254 = arith.constant 23296 : i32
      %dma_start3A_255 = tpu.memref_slice %arg3[%mul3A_32, %dma_start3A_254] : memref<64x100000xf32, #tpu.memory_space<hbm>> -> memref<8x1792xf32, #tpu.memory_space<hbm>>
      %dma_start3A_256 = arith.constant 23296 : i32
      %dma_start3A_257 = tpu.memref_slice %arg3[%mul3A_32, %dma_start3A_256] : memref<64x100000xf32, #tpu.memory_space<hbm>> -> memref<8x1792xf32, #tpu.memory_space<hbm>>
      %dma_start3A_258 = arith.constant 0 : i32
      %dma_start3A_259 = arith.constant 0 : i32
      %dma_start3A_260 = tpu.memref_slice %arg4[%dma_start3A_258, %dma_start3A_259] : memref<8x3584xf32, #tpu.memory_space<vmem>> -> memref<8x1792xf32, #tpu.memory_space<vmem>>
      tpu.enqueue_dma source(%dma_start3A_260 : memref<8x1792xf32, #tpu.memory_space<vmem>>) target(%dma_start3A_257 : memref<8x1792xf32, #tpu.memory_space<hbm>>) target_semaphore(%arg13 : memref<!tpu.dma_semaphore, #tpu.memory_space<semaphore_mem>>)
      %dma_wait3A_261 = arith.constant 13440 : i32
      %dma_wait3A_262 = tpu.memref_slice %arg3[%mul3A_32, %dma_wait3A_261] : memref<64x100000xf32, #tpu.memory_space<hbm>> -> memref<8x3584xf32, #tpu.memory_space<hbm>>
      %dma_wait3A_263 = arith.constant 13440 : i32
      %dma_wait3A_264 = tpu.memref_slice %arg3[%mul3A_32, %dma_wait3A_263] : memref<64x100000xf32, #tpu.memory_space<hbm>> -> memref<8x3584xf32, #tpu.memory_space<hbm>>
      tpu.wait_dma2 semaphore(%arg14 : memref<!tpu.dma_semaphore, #tpu.memory_space<semaphore_mem>>) src(%arg5 : memref<8x3584xf32, #tpu.memory_space<vmem>>) dst(%dma_wait3A_264 : memref<8x3584xf32, #tpu.memory_space<hbm>>)
      %dma_wait3A_265 = arith.constant 17024 : i32
      %dma_wait3A_266 = tpu.memref_slice %arg3[%mul3A_32, %dma_wait3A_265] : memref<64x100000xf32, #tpu.memory_space<hbm>> -> memref<8x3584xf32, #tpu.memory_space<hbm>>
      %dma_wait3A_267 = arith.constant 17024 : i32
      %dma_wait3A_268 = tpu.memref_slice %arg3[%mul3A_32, %dma_wait3A_267] : memref<64x100000xf32, #tpu.memory_space<hbm>> -> memref<8x3584xf32, #tpu.memory_space<hbm>>
      tpu.wait_dma2 semaphore(%arg15 : memref<!tpu.dma_semaphore, #tpu.memory_space<semaphore_mem>>) src(%arg6 : memref<8x3584xf32, #tpu.memory_space<vmem>>) dst(%dma_wait3A_268 : memref<8x3584xf32, #tpu.memory_space<hbm>>)
      %dma_wait3A_269 = arith.constant 0 : i32
      %dma_wait3A_270 = arith.constant 0 : i32
      %dma_wait3A_271 = tpu.memref_slice %arg7[%dma_wait3A_269, %dma_wait3A_270] : memref<8x3584xf32, #tpu.memory_space<vmem>> -> memref<8x2688xf32, #tpu.memory_space<vmem>>
      %dma_wait3A_272 = arith.constant 20608 : i32
      %dma_wait3A_273 = tpu.memref_slice %arg3[%mul3A_32, %dma_wait3A_272] : memref<64x100000xf32, #tpu.memory_space<hbm>> -> memref<8x2688xf32, #tpu.memory_space<hbm>>
      %dma_wait3A_274 = arith.constant 20608 : i32
      %dma_wait3A_275 = tpu.memref_slice %arg3[%mul3A_32, %dma_wait3A_274] : memref<64x100000xf32, #tpu.memory_space<hbm>> -> memref<8x2688xf32, #tpu.memory_space<hbm>>
      %dma_wait3A_276 = arith.constant 0 : i32
      %dma_wait3A_277 = arith.constant 0 : i32
      %dma_wait3A_278 = tpu.memref_slice %arg7[%dma_wait3A_276, %dma_wait3A_277] : memref<8x3584xf32, #tpu.memory_space<vmem>> -> memref<8x2688xf32, #tpu.memory_space<vmem>>
      tpu.wait_dma2 semaphore(%arg16 : memref<!tpu.dma_semaphore, #tpu.memory_space<semaphore_mem>>) src(%dma_wait3A_278 : memref<8x2688xf32, #tpu.memory_space<vmem>>) dst(%dma_wait3A_275 : memref<8x2688xf32, #tpu.memory_space<hbm>>)
      %dma_wait3A_279 = arith.constant 0 : i32
      %dma_wait3A_280 = arith.constant 0 : i32
      %dma_wait3A_281 = tpu.memref_slice %arg4[%dma_wait3A_279, %dma_wait3A_280] : memref<8x3584xf32, #tpu.memory_space<vmem>> -> memref<8x1792xf32, #tpu.memory_space<vmem>>
      %dma_wait3A_282 = arith.constant 23296 : i32
      %dma_wait3A_283 = tpu.memref_slice %arg3[%mul3A_32, %dma_wait3A_282] : memref<64x100000xf32, #tpu.memory_space<hbm>> -> memref<8x1792xf32, #tpu.memory_space<hbm>>
      %dma_wait3A_284 = arith.constant 23296 : i32
      %dma_wait3A_285 = tpu.memref_slice %arg3[%mul3A_32, %dma_wait3A_284] : memref<64x100000xf32, #tpu.memory_space<hbm>> -> memref<8x1792xf32, #tpu.memory_space<hbm>>
      %dma_wait3A_286 = arith.constant 0 : i32
      %dma_wait3A_287 = arith.constant 0 : i32
      %dma_wait3A_288 = tpu.memref_slice %arg4[%dma_wait3A_286, %dma_wait3A_287] : memref<8x3584xf32, #tpu.memory_space<vmem>> -> memref<8x1792xf32, #tpu.memory_space<vmem>>
      tpu.wait_dma2 semaphore(%arg13 : memref<!tpu.dma_semaphore, #tpu.memory_space<semaphore_mem>>) src(%dma_wait3A_288 : memref<8x1792xf32, #tpu.memory_space<vmem>>) dst(%dma_wait3A_285 : memref<8x1792xf32, #tpu.memory_space<hbm>>)
    } else {
    }
    %eq3A_36 = arith.constant 1 : i32
    %eq3A_37 = arith.cmpi eq, %select_n3A, %eq3A_36 : i32
    %convert_element_type3A_38 = arith.extui %eq3A_37 : i1 to i32
    %cond3A_39 = arith.constant 0 : i32
    %cond3A_40 = arith.cmpi ne, %convert_element_type3A_38, %cond3A_39 : i32
    scf.if %cond3A_40 {
      %dma_start3A = arith.constant 0 : i32
      %dma_start3A_51 = arith.constant 0 : i32
      %dma_start3A_52 = tpu.memref_slice %arg4[%dma_start3A, %dma_start3A_51] : memref<8x3584xf32, #tpu.memory_space<vmem>> -> memref<8x896xf32, #tpu.memory_space<vmem>>
      %dma_start3A_53 = arith.constant 25088 : i32
      %dma_start3A_54 = tpu.memref_slice %arg2[%mul3A_32, %dma_start3A_53] : memref<64x100000xf32, #tpu.memory_space<hbm>> -> memref<8x896xf32, #tpu.memory_space<hbm>>
      %dma_start3A_55 = arith.constant 0 : i32
      %dma_start3A_56 = arith.constant 0 : i32
      %dma_start3A_57 = tpu.memref_slice %arg4[%dma_start3A_55, %dma_start3A_56] : memref<8x3584xf32, #tpu.memory_space<vmem>> -> memref<8x896xf32, #tpu.memory_space<vmem>>
      %dma_start3A_58 = arith.constant 25088 : i32
      %dma_start3A_59 = tpu.memref_slice %arg2[%mul3A_32, %dma_start3A_58] : memref<64x100000xf32, #tpu.memory_space<hbm>> -> memref<8x896xf32, #tpu.memory_space<hbm>>
      tpu.enqueue_dma source(%dma_start3A_59 : memref<8x896xf32, #tpu.memory_space<hbm>>) target(%dma_start3A_57 : memref<8x896xf32, #tpu.memory_space<vmem>>) target_semaphore(%arg9 : memref<!tpu.dma_semaphore, #tpu.memory_space<semaphore_mem>>)
      %dma_start3A_60 = arith.constant 0 : i32
      %dma_start3A_61 = arith.constant 0 : i32
      %dma_start3A_62 = tpu.memref_slice %arg5[%dma_start3A_60, %dma_start3A_61] : memref<8x3584xf32, #tpu.memory_space<vmem>> -> memref<8x1792xf32, #tpu.memory_space<vmem>>
      %dma_start3A_63 = arith.constant 25984 : i32
      %dma_start3A_64 = tpu.memref_slice %arg2[%mul3A_32, %dma_start3A_63] : memref<64x100000xf32, #tpu.memory_space<hbm>> -> memref<8x1792xf32, #tpu.memory_space<hbm>>
      %dma_start3A_65 = arith.constant 0 : i32
      %dma_start3A_66 = arith.constant 0 : i32
      %dma_start3A_67 = tpu.memref_slice %arg5[%dma_start3A_65, %dma_start3A_66] : memref<8x3584xf32, #tpu.memory_space<vmem>> -> memref<8x1792xf32, #tpu.memory_space<vmem>>
      %dma_start3A_68 = arith.constant 25984 : i32
      %dma_start3A_69 = tpu.memref_slice %arg2[%mul3A_32, %dma_start3A_68] : memref<64x100000xf32, #tpu.memory_space<hbm>> -> memref<8x1792xf32, #tpu.memory_space<hbm>>
      tpu.enqueue_dma source(%dma_start3A_69 : memref<8x1792xf32, #tpu.memory_space<hbm>>) target(%dma_start3A_67 : memref<8x1792xf32, #tpu.memory_space<vmem>>) target_semaphore(%arg10 : memref<!tpu.dma_semaphore, #tpu.memory_space<semaphore_mem>>)
      %dma_start3A_70 = arith.constant 27776 : i32
      %dma_start3A_71 = tpu.memref_slice %arg2[%mul3A_32, %dma_start3A_70] : memref<64x100000xf32, #tpu.memory_space<hbm>> -> memref<8x3584xf32, #tpu.memory_space<hbm>>
      %dma_start3A_72 = arith.constant 27776 : i32
      %dma_start3A_73 = tpu.memref_slice %arg2[%mul3A_32, %dma_start3A_72] : memref<64x100000xf32, #tpu.memory_space<hbm>> -> memref<8x3584xf32, #tpu.memory_space<hbm>>
      tpu.enqueue_dma source(%dma_start3A_73 : memref<8x3584xf32, #tpu.memory_space<hbm>>) target(%arg6 : memref<8x3584xf32, #tpu.memory_space<vmem>>) target_semaphore(%arg11 : memref<!tpu.dma_semaphore, #tpu.memory_space<semaphore_mem>>)
      %dma_start3A_74 = arith.constant 31360 : i32
      %dma_start3A_75 = tpu.memref_slice %arg2[%mul3A_32, %dma_start3A_74] : memref<64x100000xf32, #tpu.memory_space<hbm>> -> memref<8x3584xf32, #tpu.memory_space<hbm>>
      %dma_start3A_76 = arith.constant 31360 : i32
      %dma_start3A_77 = tpu.memref_slice %arg2[%mul3A_32, %dma_start3A_76] : memref<64x100000xf32, #tpu.memory_space<hbm>> -> memref<8x3584xf32, #tpu.memory_space<hbm>>
      tpu.enqueue_dma source(%dma_start3A_77 : memref<8x3584xf32, #tpu.memory_space<hbm>>) target(%arg7 : memref<8x3584xf32, #tpu.memory_space<vmem>>) target_semaphore(%arg12 : memref<!tpu.dma_semaphore, #tpu.memory_space<semaphore_mem>>)
      %dma_wait3A = arith.constant 0 : i32
      %dma_wait3A_78 = arith.constant 0 : i32
      %dma_wait3A_79 = tpu.memref_slice %arg4[%dma_wait3A, %dma_wait3A_78] : memref<8x3584xf32, #tpu.memory_space<vmem>> -> memref<8x896xf32, #tpu.memory_space<vmem>>
      %dma_wait3A_80 = arith.constant 25088 : i32
      %dma_wait3A_81 = tpu.memref_slice %arg2[%mul3A_32, %dma_wait3A_80] : memref<64x100000xf32, #tpu.memory_space<hbm>> -> memref<8x896xf32, #tpu.memory_space<hbm>>
      %dma_wait3A_82 = arith.constant 0 : i32
      %dma_wait3A_83 = arith.constant 0 : i32
      %dma_wait3A_84 = tpu.memref_slice %arg4[%dma_wait3A_82, %dma_wait3A_83] : memref<8x3584xf32, #tpu.memory_space<vmem>> -> memref<8x896xf32, #tpu.memory_space<vmem>>
      %dma_wait3A_85 = arith.constant 25088 : i32
      %dma_wait3A_86 = tpu.memref_slice %arg2[%mul3A_32, %dma_wait3A_85] : memref<64x100000xf32, #tpu.memory_space<hbm>> -> memref<8x896xf32, #tpu.memory_space<hbm>>
      tpu.wait_dma2 semaphore(%arg9 : memref<!tpu.dma_semaphore, #tpu.memory_space<semaphore_mem>>) src(%dma_wait3A_86 : memref<8x896xf32, #tpu.memory_space<hbm>>) dst(%dma_wait3A_84 : memref<8x896xf32, #tpu.memory_space<vmem>>)
      %dma_start3A_87 = arith.constant 0 : i32
      %dma_start3A_88 = arith.constant 0 : i32
      %dma_start3A_89 = tpu.memref_slice %arg4[%dma_start3A_87, %dma_start3A_88] : memref<8x3584xf32, #tpu.memory_space<vmem>> -> memref<8x896xf32, #tpu.memory_space<vmem>>
      %dma_start3A_90 = arith.constant 25088 : i32
      %dma_start3A_91 = tpu.memref_slice %arg3[%mul3A_32, %dma_start3A_90] : memref<64x100000xf32, #tpu.memory_space<hbm>> -> memref<8x896xf32, #tpu.memory_space<hbm>>
      %dma_start3A_92 = arith.constant 25088 : i32
      %dma_start3A_93 = tpu.memref_slice %arg3[%mul3A_32, %dma_start3A_92] : memref<64x100000xf32, #tpu.memory_space<hbm>> -> memref<8x896xf32, #tpu.memory_space<hbm>>
      %dma_start3A_94 = arith.constant 0 : i32
      %dma_start3A_95 = arith.constant 0 : i32
      %dma_start3A_96 = tpu.memref_slice %arg4[%dma_start3A_94, %dma_start3A_95] : memref<8x3584xf32, #tpu.memory_space<vmem>> -> memref<8x896xf32, #tpu.memory_space<vmem>>
      tpu.enqueue_dma source(%dma_start3A_96 : memref<8x896xf32, #tpu.memory_space<vmem>>) target(%dma_start3A_93 : memref<8x896xf32, #tpu.memory_space<hbm>>) target_semaphore(%arg13 : memref<!tpu.dma_semaphore, #tpu.memory_space<semaphore_mem>>)
      %dma_wait3A_97 = arith.constant 0 : i32
      %dma_wait3A_98 = arith.constant 0 : i32
      %dma_wait3A_99 = tpu.memref_slice %arg4[%dma_wait3A_97, %dma_wait3A_98] : memref<8x3584xf32, #tpu.memory_space<vmem>> -> memref<8x896xf32, #tpu.memory_space<vmem>>
      %dma_wait3A_100 = arith.constant 25088 : i32
      %dma_wait3A_101 = tpu.memref_slice %arg3[%mul3A_32, %dma_wait3A_100] : memref<64x100000xf32, #tpu.memory_space<hbm>> -> memref<8x896xf32, #tpu.memory_space<hbm>>
      %dma_wait3A_102 = arith.constant 25088 : i32
      %dma_wait3A_103 = tpu.memref_slice %arg3[%mul3A_32, %dma_wait3A_102] : memref<64x100000xf32, #tpu.memory_space<hbm>> -> memref<8x896xf32, #tpu.memory_space<hbm>>
      %dma_wait3A_104 = arith.constant 0 : i32
      %dma_wait3A_105 = arith.constant 0 : i32
      %dma_wait3A_106 = tpu.memref_slice %arg4[%dma_wait3A_104, %dma_wait3A_105] : memref<8x3584xf32, #tpu.memory_space<vmem>> -> memref<8x896xf32, #tpu.memory_space<vmem>>
      tpu.wait_dma2 semaphore(%arg13 : memref<!tpu.dma_semaphore, #tpu.memory_space<semaphore_mem>>) src(%dma_wait3A_106 : memref<8x896xf32, #tpu.memory_space<vmem>>) dst(%dma_wait3A_103 : memref<8x896xf32, #tpu.memory_space<hbm>>)
      %dma_start3A_107 = arith.constant 34944 : i32
      %dma_start3A_108 = tpu.memref_slice %arg2[%mul3A_32, %dma_start3A_107] : memref<64x100000xf32, #tpu.memory_space<hbm>> -> memref<8x3584xf32, #tpu.memory_space<hbm>>
      %dma_start3A_109 = arith.constant 34944 : i32
      %dma_start3A_110 = tpu.memref_slice %arg2[%mul3A_32, %dma_start3A_109] : memref<64x100000xf32, #tpu.memory_space<hbm>> -> memref<8x3584xf32, #tpu.memory_space<hbm>>
      tpu.enqueue_dma source(%dma_start3A_110 : memref<8x3584xf32, #tpu.memory_space<hbm>>) target(%arg4 : memref<8x3584xf32, #tpu.memory_space<vmem>>) target_semaphore(%arg9 : memref<!tpu.dma_semaphore, #tpu.memory_space<semaphore_mem>>)
      %dma_wait3A_111 = arith.constant 0 : i32
      %dma_wait3A_112 = arith.constant 0 : i32
      %dma_wait3A_113 = tpu.memref_slice %arg5[%dma_wait3A_111, %dma_wait3A_112] : memref<8x3584xf32, #tpu.memory_space<vmem>> -> memref<8x1792xf32, #tpu.memory_space<vmem>>
      %dma_wait3A_114 = arith.constant 25984 : i32
      %dma_wait3A_115 = tpu.memref_slice %arg2[%mul3A_32, %dma_wait3A_114] : memref<64x100000xf32, #tpu.memory_space<hbm>> -> memref<8x1792xf32, #tpu.memory_space<hbm>>
      %dma_wait3A_116 = arith.constant 0 : i32
      %dma_wait3A_117 = arith.constant 0 : i32
      %dma_wait3A_118 = tpu.memref_slice %arg5[%dma_wait3A_116, %dma_wait3A_117] : memref<8x3584xf32, #tpu.memory_space<vmem>> -> memref<8x1792xf32, #tpu.memory_space<vmem>>
      %dma_wait3A_119 = arith.constant 25984 : i32
      %dma_wait3A_120 = tpu.memref_slice %arg2[%mul3A_32, %dma_wait3A_119] : memref<64x100000xf32, #tpu.memory_space<hbm>> -> memref<8x1792xf32, #tpu.memory_space<hbm>>
      tpu.wait_dma2 semaphore(%arg10 : memref<!tpu.dma_semaphore, #tpu.memory_space<semaphore_mem>>) src(%dma_wait3A_120 : memref<8x1792xf32, #tpu.memory_space<hbm>>) dst(%dma_wait3A_118 : memref<8x1792xf32, #tpu.memory_space<vmem>>)
      %dma_start3A_121 = arith.constant 0 : i32
      %dma_start3A_122 = arith.constant 0 : i32
      %dma_start3A_123 = tpu.memref_slice %arg5[%dma_start3A_121, %dma_start3A_122] : memref<8x3584xf32, #tpu.memory_space<vmem>> -> memref<8x1792xf32, #tpu.memory_space<vmem>>
      %dma_start3A_124 = arith.constant 25984 : i32
      %dma_start3A_125 = tpu.memref_slice %arg3[%mul3A_32, %dma_start3A_124] : memref<64x100000xf32, #tpu.memory_space<hbm>> -> memref<8x1792xf32, #tpu.memory_space<hbm>>
      %dma_start3A_126 = arith.constant 25984 : i32
      %dma_start3A_127 = tpu.memref_slice %arg3[%mul3A_32, %dma_start3A_126] : memref<64x100000xf32, #tpu.memory_space<hbm>> -> memref<8x1792xf32, #tpu.memory_space<hbm>>
      %dma_start3A_128 = arith.constant 0 : i32
      %dma_start3A_129 = arith.constant 0 : i32
      %dma_start3A_130 = tpu.memref_slice %arg5[%dma_start3A_128, %dma_start3A_129] : memref<8x3584xf32, #tpu.memory_space<vmem>> -> memref<8x1792xf32, #tpu.memory_space<vmem>>
      tpu.enqueue_dma source(%dma_start3A_130 : memref<8x1792xf32, #tpu.memory_space<vmem>>) target(%dma_start3A_127 : memref<8x1792xf32, #tpu.memory_space<hbm>>) target_semaphore(%arg14 : memref<!tpu.dma_semaphore, #tpu.memory_space<semaphore_mem>>)
      %dma_wait3A_131 = arith.constant 0 : i32
      %dma_wait3A_132 = arith.constant 0 : i32
      %dma_wait3A_133 = tpu.memref_slice %arg5[%dma_wait3A_131, %dma_wait3A_132] : memref<8x3584xf32, #tpu.memory_space<vmem>> -> memref<8x1792xf32, #tpu.memory_space<vmem>>
      %dma_wait3A_134 = arith.constant 25984 : i32
      %dma_wait3A_135 = tpu.memref_slice %arg3[%mul3A_32, %dma_wait3A_134] : memref<64x100000xf32, #tpu.memory_space<hbm>> -> memref<8x1792xf32, #tpu.memory_space<hbm>>
      %dma_wait3A_136 = arith.constant 25984 : i32
      %dma_wait3A_137 = tpu.memref_slice %arg3[%mul3A_32, %dma_wait3A_136] : memref<64x100000xf32, #tpu.memory_space<hbm>> -> memref<8x1792xf32, #tpu.memory_space<hbm>>
      %dma_wait3A_138 = arith.constant 0 : i32
      %dma_wait3A_139 = arith.constant 0 : i32
      %dma_wait3A_140 = tpu.memref_slice %arg5[%dma_wait3A_138, %dma_wait3A_139] : memref<8x3584xf32, #tpu.memory_space<vmem>> -> memref<8x1792xf32, #tpu.memory_space<vmem>>
      tpu.wait_dma2 semaphore(%arg14 : memref<!tpu.dma_semaphore, #tpu.memory_space<semaphore_mem>>) src(%dma_wait3A_140 : memref<8x1792xf32, #tpu.memory_space<vmem>>) dst(%dma_wait3A_137 : memref<8x1792xf32, #tpu.memory_space<hbm>>)
      %dma_start3A_141 = arith.constant 38528 : i32
      %dma_start3A_142 = tpu.memref_slice %arg2[%mul3A_32, %dma_start3A_141] : memref<64x100000xf32, #tpu.memory_space<hbm>> -> memref<8x3584xf32, #tpu.memory_space<hbm>>
      %dma_start3A_143 = arith.constant 38528 : i32
      %dma_start3A_144 = tpu.memref_slice %arg2[%mul3A_32, %dma_start3A_143] : memref<64x100000xf32, #tpu.memory_space<hbm>> -> memref<8x3584xf32, #tpu.memory_space<hbm>>
      tpu.enqueue_dma source(%dma_start3A_144 : memref<8x3584xf32, #tpu.memory_space<hbm>>) target(%arg5 : memref<8x3584xf32, #tpu.memory_space<vmem>>) target_semaphore(%arg10 : memref<!tpu.dma_semaphore, #tpu.memory_space<semaphore_mem>>)
      %dma_wait3A_145 = arith.constant 27776 : i32
      %dma_wait3A_146 = tpu.memref_slice %arg2[%mul3A_32, %dma_wait3A_145] : memref<64x100000xf32, #tpu.memory_space<hbm>> -> memref<8x3584xf32, #tpu.memory_space<hbm>>
      %dma_wait3A_147 = arith.constant 27776 : i32
      %dma_wait3A_148 = tpu.memref_slice %arg2[%mul3A_32, %dma_wait3A_147] : memref<64x100000xf32, #tpu.memory_space<hbm>> -> memref<8x3584xf32, #tpu.memory_space<hbm>>
      tpu.wait_dma2 semaphore(%arg11 : memref<!tpu.dma_semaphore, #tpu.memory_space<semaphore_mem>>) src(%dma_wait3A_148 : memref<8x3584xf32, #tpu.memory_space<hbm>>) dst(%arg6 : memref<8x3584xf32, #tpu.memory_space<vmem>>)
      %dma_start3A_149 = arith.constant 27776 : i32
      %dma_start3A_150 = tpu.memref_slice %arg3[%mul3A_32, %dma_start3A_149] : memref<64x100000xf32, #tpu.memory_space<hbm>> -> memref<8x3584xf32, #tpu.memory_space<hbm>>
      %dma_start3A_151 = arith.constant 27776 : i32
      %dma_start3A_152 = tpu.memref_slice %arg3[%mul3A_32, %dma_start3A_151] : memref<64x100000xf32, #tpu.memory_space<hbm>> -> memref<8x3584xf32, #tpu.memory_space<hbm>>
      tpu.enqueue_dma source(%arg6 : memref<8x3584xf32, #tpu.memory_space<vmem>>) target(%dma_start3A_152 : memref<8x3584xf32, #tpu.memory_space<hbm>>) target_semaphore(%arg15 : memref<!tpu.dma_semaphore, #tpu.memory_space<semaphore_mem>>)
      %dma_wait3A_153 = arith.constant 27776 : i32
      %dma_wait3A_154 = tpu.memref_slice %arg3[%mul3A_32, %dma_wait3A_153] : memref<64x100000xf32, #tpu.memory_space<hbm>> -> memref<8x3584xf32, #tpu.memory_space<hbm>>
      %dma_wait3A_155 = arith.constant 27776 : i32
      %dma_wait3A_156 = tpu.memref_slice %arg3[%mul3A_32, %dma_wait3A_155] : memref<64x100000xf32, #tpu.memory_space<hbm>> -> memref<8x3584xf32, #tpu.memory_space<hbm>>
      tpu.wait_dma2 semaphore(%arg15 : memref<!tpu.dma_semaphore, #tpu.memory_space<semaphore_mem>>) src(%arg6 : memref<8x3584xf32, #tpu.memory_space<vmem>>) dst(%dma_wait3A_156 : memref<8x3584xf32, #tpu.memory_space<hbm>>)
      %dma_start3A_157 = arith.constant 42112 : i32
      %dma_start3A_158 = tpu.memref_slice %arg2[%mul3A_32, %dma_start3A_157] : memref<64x100000xf32, #tpu.memory_space<hbm>> -> memref<8x3584xf32, #tpu.memory_space<hbm>>
      %dma_start3A_159 = arith.constant 42112 : i32
      %dma_start3A_160 = tpu.memref_slice %arg2[%mul3A_32, %dma_start3A_159] : memref<64x100000xf32, #tpu.memory_space<hbm>> -> memref<8x3584xf32, #tpu.memory_space<hbm>>
      tpu.enqueue_dma source(%dma_start3A_160 : memref<8x3584xf32, #tpu.memory_space<hbm>>) target(%arg6 : memref<8x3584xf32, #tpu.memory_space<vmem>>) target_semaphore(%arg11 : memref<!tpu.dma_semaphore, #tpu.memory_space<semaphore_mem>>)
      %dma_wait3A_161 = arith.constant 31360 : i32
      %dma_wait3A_162 = tpu.memref_slice %arg2[%mul3A_32, %dma_wait3A_161] : memref<64x100000xf32, #tpu.memory_space<hbm>> -> memref<8x3584xf32, #tpu.memory_space<hbm>>
      %dma_wait3A_163 = arith.constant 31360 : i32
      %dma_wait3A_164 = tpu.memref_slice %arg2[%mul3A_32, %dma_wait3A_163] : memref<64x100000xf32, #tpu.memory_space<hbm>> -> memref<8x3584xf32, #tpu.memory_space<hbm>>
      tpu.wait_dma2 semaphore(%arg12 : memref<!tpu.dma_semaphore, #tpu.memory_space<semaphore_mem>>) src(%dma_wait3A_164 : memref<8x3584xf32, #tpu.memory_space<hbm>>) dst(%arg7 : memref<8x3584xf32, #tpu.memory_space<vmem>>)
      %dma_start3A_165 = arith.constant 31360 : i32
      %dma_start3A_166 = tpu.memref_slice %arg3[%mul3A_32, %dma_start3A_165] : memref<64x100000xf32, #tpu.memory_space<hbm>> -> memref<8x3584xf32, #tpu.memory_space<hbm>>
      %dma_start3A_167 = arith.constant 31360 : i32
      %dma_start3A_168 = tpu.memref_slice %arg3[%mul3A_32, %dma_start3A_167] : memref<64x100000xf32, #tpu.memory_space<hbm>> -> memref<8x3584xf32, #tpu.memory_space<hbm>>
      tpu.enqueue_dma source(%arg7 : memref<8x3584xf32, #tpu.memory_space<vmem>>) target(%dma_start3A_168 : memref<8x3584xf32, #tpu.memory_space<hbm>>) target_semaphore(%arg16 : memref<!tpu.dma_semaphore, #tpu.memory_space<semaphore_mem>>)
      %dma_wait3A_169 = arith.constant 31360 : i32
      %dma_wait3A_170 = tpu.memref_slice %arg3[%mul3A_32, %dma_wait3A_169] : memref<64x100000xf32, #tpu.memory_space<hbm>> -> memref<8x3584xf32, #tpu.memory_space<hbm>>
      %dma_wait3A_171 = arith.constant 31360 : i32
      %dma_wait3A_172 = tpu.memref_slice %arg3[%mul3A_32, %dma_wait3A_171] : memref<64x100000xf32, #tpu.memory_space<hbm>> -> memref<8x3584xf32, #tpu.memory_space<hbm>>
      tpu.wait_dma2 semaphore(%arg16 : memref<!tpu.dma_semaphore, #tpu.memory_space<semaphore_mem>>) src(%arg7 : memref<8x3584xf32, #tpu.memory_space<vmem>>) dst(%dma_wait3A_172 : memref<8x3584xf32, #tpu.memory_space<hbm>>)
      %dma_start3A_173 = arith.constant 0 : i32
      %dma_start3A_174 = arith.constant 0 : i32
      %dma_start3A_175 = tpu.memref_slice %arg7[%dma_start3A_173, %dma_start3A_174] : memref<8x3584xf32, #tpu.memory_space<vmem>> -> memref<8x2560xf32, #tpu.memory_space<vmem>>
      %dma_start3A_176 = arith.constant 45696 : i32
      %dma_start3A_177 = tpu.memref_slice %arg2[%mul3A_32, %dma_start3A_176] : memref<64x100000xf32, #tpu.memory_space<hbm>> -> memref<8x2560xf32, #tpu.memory_space<hbm>>
      %dma_start3A_178 = arith.constant 0 : i32
      %dma_start3A_179 = arith.constant 0 : i32
      %dma_start3A_180 = tpu.memref_slice %arg7[%dma_start3A_178, %dma_start3A_179] : memref<8x3584xf32, #tpu.memory_space<vmem>> -> memref<8x2560xf32, #tpu.memory_space<vmem>>
      %dma_start3A_181 = arith.constant 45696 : i32
      %dma_start3A_182 = tpu.memref_slice %arg2[%mul3A_32, %dma_start3A_181] : memref<64x100000xf32, #tpu.memory_space<hbm>> -> memref<8x2560xf32, #tpu.memory_space<hbm>>
      tpu.enqueue_dma source(%dma_start3A_182 : memref<8x2560xf32, #tpu.memory_space<hbm>>) target(%dma_start3A_180 : memref<8x2560xf32, #tpu.memory_space<vmem>>) target_semaphore(%arg12 : memref<!tpu.dma_semaphore, #tpu.memory_space<semaphore_mem>>)
      %dma_wait3A_183 = arith.constant 34944 : i32
      %dma_wait3A_184 = tpu.memref_slice %arg2[%mul3A_32, %dma_wait3A_183] : memref<64x100000xf32, #tpu.memory_space<hbm>> -> memref<8x3584xf32, #tpu.memory_space<hbm>>
      %dma_wait3A_185 = arith.constant 34944 : i32
      %dma_wait3A_186 = tpu.memref_slice %arg2[%mul3A_32, %dma_wait3A_185] : memref<64x100000xf32, #tpu.memory_space<hbm>> -> memref<8x3584xf32, #tpu.memory_space<hbm>>
      tpu.wait_dma2 semaphore(%arg9 : memref<!tpu.dma_semaphore, #tpu.memory_space<semaphore_mem>>) src(%dma_wait3A_186 : memref<8x3584xf32, #tpu.memory_space<hbm>>) dst(%arg4 : memref<8x3584xf32, #tpu.memory_space<vmem>>)
      %dma_start3A_187 = arith.constant 34944 : i32
      %dma_start3A_188 = tpu.memref_slice %arg3[%mul3A_32, %dma_start3A_187] : memref<64x100000xf32, #tpu.memory_space<hbm>> -> memref<8x3584xf32, #tpu.memory_space<hbm>>
      %dma_start3A_189 = arith.constant 34944 : i32
      %dma_start3A_190 = tpu.memref_slice %arg3[%mul3A_32, %dma_start3A_189] : memref<64x100000xf32, #tpu.memory_space<hbm>> -> memref<8x3584xf32, #tpu.memory_space<hbm>>
      tpu.enqueue_dma source(%arg4 : memref<8x3584xf32, #tpu.memory_space<vmem>>) target(%dma_start3A_190 : memref<8x3584xf32, #tpu.memory_space<hbm>>) target_semaphore(%arg13 : memref<!tpu.dma_semaphore, #tpu.memory_space<semaphore_mem>>)
      %dma_wait3A_191 = arith.constant 34944 : i32
      %dma_wait3A_192 = tpu.memref_slice %arg3[%mul3A_32, %dma_wait3A_191] : memref<64x100000xf32, #tpu.memory_space<hbm>> -> memref<8x3584xf32, #tpu.memory_space<hbm>>
      %dma_wait3A_193 = arith.constant 34944 : i32
      %dma_wait3A_194 = tpu.memref_slice %arg3[%mul3A_32, %dma_wait3A_193] : memref<64x100000xf32, #tpu.memory_space<hbm>> -> memref<8x3584xf32, #tpu.memory_space<hbm>>
      tpu.wait_dma2 semaphore(%arg13 : memref<!tpu.dma_semaphore, #tpu.memory_space<semaphore_mem>>) src(%arg4 : memref<8x3584xf32, #tpu.memory_space<vmem>>) dst(%dma_wait3A_194 : memref<8x3584xf32, #tpu.memory_space<hbm>>)
      %dma_start3A_195 = arith.constant 0 : i32
      %dma_start3A_196 = arith.constant 0 : i32
      %dma_start3A_197 = tpu.memref_slice %arg4[%dma_start3A_195, %dma_start3A_196] : memref<8x3584xf32, #tpu.memory_space<vmem>> -> memref<8x1792xf32, #tpu.memory_space<vmem>>
      %dma_start3A_198 = arith.constant 48256 : i32
      %dma_start3A_199 = tpu.memref_slice %arg2[%mul3A_32, %dma_start3A_198] : memref<64x100000xf32, #tpu.memory_space<hbm>> -> memref<8x1792xf32, #tpu.memory_space<hbm>>
      %dma_start3A_200 = arith.constant 0 : i32
      %dma_start3A_201 = arith.constant 0 : i32
      %dma_start3A_202 = tpu.memref_slice %arg4[%dma_start3A_200, %dma_start3A_201] : memref<8x3584xf32, #tpu.memory_space<vmem>> -> memref<8x1792xf32, #tpu.memory_space<vmem>>
      %dma_start3A_203 = arith.constant 48256 : i32
      %dma_start3A_204 = tpu.memref_slice %arg2[%mul3A_32, %dma_start3A_203] : memref<64x100000xf32, #tpu.memory_space<hbm>> -> memref<8x1792xf32, #tpu.memory_space<hbm>>
      tpu.enqueue_dma source(%dma_start3A_204 : memref<8x1792xf32, #tpu.memory_space<hbm>>) target(%dma_start3A_202 : memref<8x1792xf32, #tpu.memory_space<vmem>>) target_semaphore(%arg9 : memref<!tpu.dma_semaphore, #tpu.memory_space<semaphore_mem>>)
      %dma_wait3A_205 = arith.constant 38528 : i32
      %dma_wait3A_206 = tpu.memref_slice %arg2[%mul3A_32, %dma_wait3A_205] : memref<64x100000xf32, #tpu.memory_space<hbm>> -> memref<8x3584xf32, #tpu.memory_space<hbm>>
      %dma_wait3A_207 = arith.constant 38528 : i32
      %dma_wait3A_208 = tpu.memref_slice %arg2[%mul3A_32, %dma_wait3A_207] : memref<64x100000xf32, #tpu.memory_space<hbm>> -> memref<8x3584xf32, #tpu.memory_space<hbm>>
      tpu.wait_dma2 semaphore(%arg10 : memref<!tpu.dma_semaphore, #tpu.memory_space<semaphore_mem>>) src(%dma_wait3A_208 : memref<8x3584xf32, #tpu.memory_space<hbm>>) dst(%arg5 : memref<8x3584xf32, #tpu.memory_space<vmem>>)
      %dma_start3A_209 = arith.constant 38528 : i32
      %dma_start3A_210 = tpu.memref_slice %arg3[%mul3A_32, %dma_start3A_209] : memref<64x100000xf32, #tpu.memory_space<hbm>> -> memref<8x3584xf32, #tpu.memory_space<hbm>>
      %dma_start3A_211 = arith.constant 38528 : i32
      %dma_start3A_212 = tpu.memref_slice %arg3[%mul3A_32, %dma_start3A_211] : memref<64x100000xf32, #tpu.memory_space<hbm>> -> memref<8x3584xf32, #tpu.memory_space<hbm>>
      tpu.enqueue_dma source(%arg5 : memref<8x3584xf32, #tpu.memory_space<vmem>>) target(%dma_start3A_212 : memref<8x3584xf32, #tpu.memory_space<hbm>>) target_semaphore(%arg14 : memref<!tpu.dma_semaphore, #tpu.memory_space<semaphore_mem>>)
      %dma_wait3A_213 = arith.constant 42112 : i32
      %dma_wait3A_214 = tpu.memref_slice %arg2[%mul3A_32, %dma_wait3A_213] : memref<64x100000xf32, #tpu.memory_space<hbm>> -> memref<8x3584xf32, #tpu.memory_space<hbm>>
      %dma_wait3A_215 = arith.constant 42112 : i32
      %dma_wait3A_216 = tpu.memref_slice %arg2[%mul3A_32, %dma_wait3A_215] : memref<64x100000xf32, #tpu.memory_space<hbm>> -> memref<8x3584xf32, #tpu.memory_space<hbm>>
      tpu.wait_dma2 semaphore(%arg11 : memref<!tpu.dma_semaphore, #tpu.memory_space<semaphore_mem>>) src(%dma_wait3A_216 : memref<8x3584xf32, #tpu.memory_space<hbm>>) dst(%arg6 : memref<8x3584xf32, #tpu.memory_space<vmem>>)
      %dma_start3A_217 = arith.constant 42112 : i32
      %dma_start3A_218 = tpu.memref_slice %arg3[%mul3A_32, %dma_start3A_217] : memref<64x100000xf32, #tpu.memory_space<hbm>> -> memref<8x3584xf32, #tpu.memory_space<hbm>>
      %dma_start3A_219 = arith.constant 42112 : i32
      %dma_start3A_220 = tpu.memref_slice %arg3[%mul3A_32, %dma_start3A_219] : memref<64x100000xf32, #tpu.memory_space<hbm>> -> memref<8x3584xf32, #tpu.memory_space<hbm>>
      tpu.enqueue_dma source(%arg6 : memref<8x3584xf32, #tpu.memory_space<vmem>>) target(%dma_start3A_220 : memref<8x3584xf32, #tpu.memory_space<hbm>>) target_semaphore(%arg15 : memref<!tpu.dma_semaphore, #tpu.memory_space<semaphore_mem>>)
      %dma_wait3A_221 = arith.constant 0 : i32
      %dma_wait3A_222 = arith.constant 0 : i32
      %dma_wait3A_223 = tpu.memref_slice %arg7[%dma_wait3A_221, %dma_wait3A_222] : memref<8x3584xf32, #tpu.memory_space<vmem>> -> memref<8x2560xf32, #tpu.memory_space<vmem>>
      %dma_wait3A_224 = arith.constant 45696 : i32
      %dma_wait3A_225 = tpu.memref_slice %arg2[%mul3A_32, %dma_wait3A_224] : memref<64x100000xf32, #tpu.memory_space<hbm>> -> memref<8x2560xf32, #tpu.memory_space<hbm>>
      %dma_wait3A_226 = arith.constant 0 : i32
      %dma_wait3A_227 = arith.constant 0 : i32
      %dma_wait3A_228 = tpu.memref_slice %arg7[%dma_wait3A_226, %dma_wait3A_227] : memref<8x3584xf32, #tpu.memory_space<vmem>> -> memref<8x2560xf32, #tpu.memory_space<vmem>>
      %dma_wait3A_229 = arith.constant 45696 : i32
      %dma_wait3A_230 = tpu.memref_slice %arg2[%mul3A_32, %dma_wait3A_229] : memref<64x100000xf32, #tpu.memory_space<hbm>> -> memref<8x2560xf32, #tpu.memory_space<hbm>>
      tpu.wait_dma2 semaphore(%arg12 : memref<!tpu.dma_semaphore, #tpu.memory_space<semaphore_mem>>) src(%dma_wait3A_230 : memref<8x2560xf32, #tpu.memory_space<hbm>>) dst(%dma_wait3A_228 : memref<8x2560xf32, #tpu.memory_space<vmem>>)
      %dma_start3A_231 = arith.constant 0 : i32
      %dma_start3A_232 = arith.constant 0 : i32
      %dma_start3A_233 = tpu.memref_slice %arg7[%dma_start3A_231, %dma_start3A_232] : memref<8x3584xf32, #tpu.memory_space<vmem>> -> memref<8x2560xf32, #tpu.memory_space<vmem>>
      %dma_start3A_234 = arith.constant 45696 : i32
      %dma_start3A_235 = tpu.memref_slice %arg3[%mul3A_32, %dma_start3A_234] : memref<64x100000xf32, #tpu.memory_space<hbm>> -> memref<8x2560xf32, #tpu.memory_space<hbm>>
      %dma_start3A_236 = arith.constant 45696 : i32
      %dma_start3A_237 = tpu.memref_slice %arg3[%mul3A_32, %dma_start3A_236] : memref<64x100000xf32, #tpu.memory_space<hbm>> -> memref<8x2560xf32, #tpu.memory_space<hbm>>
      %dma_start3A_238 = arith.constant 0 : i32
      %dma_start3A_239 = arith.constant 0 : i32
      %dma_start3A_240 = tpu.memref_slice %arg7[%dma_start3A_238, %dma_start3A_239] : memref<8x3584xf32, #tpu.memory_space<vmem>> -> memref<8x2560xf32, #tpu.memory_space<vmem>>
      tpu.enqueue_dma source(%dma_start3A_240 : memref<8x2560xf32, #tpu.memory_space<vmem>>) target(%dma_start3A_237 : memref<8x2560xf32, #tpu.memory_space<hbm>>) target_semaphore(%arg16 : memref<!tpu.dma_semaphore, #tpu.memory_space<semaphore_mem>>)
      %dma_wait3A_241 = arith.constant 0 : i32
      %dma_wait3A_242 = arith.constant 0 : i32
      %dma_wait3A_243 = tpu.memref_slice %arg4[%dma_wait3A_241, %dma_wait3A_242] : memref<8x3584xf32, #tpu.memory_space<vmem>> -> memref<8x1792xf32, #tpu.memory_space<vmem>>
      %dma_wait3A_244 = arith.constant 48256 : i32
      %dma_wait3A_245 = tpu.memref_slice %arg2[%mul3A_32, %dma_wait3A_244] : memref<64x100000xf32, #tpu.memory_space<hbm>> -> memref<8x1792xf32, #tpu.memory_space<hbm>>
      %dma_wait3A_246 = arith.constant 0 : i32
      %dma_wait3A_247 = arith.constant 0 : i32
      %dma_wait3A_248 = tpu.memref_slice %arg4[%dma_wait3A_246, %dma_wait3A_247] : memref<8x3584xf32, #tpu.memory_space<vmem>> -> memref<8x1792xf32, #tpu.memory_space<vmem>>
      %dma_wait3A_249 = arith.constant 48256 : i32
      %dma_wait3A_250 = tpu.memref_slice %arg2[%mul3A_32, %dma_wait3A_249] : memref<64x100000xf32, #tpu.memory_space<hbm>> -> memref<8x1792xf32, #tpu.memory_space<hbm>>
      tpu.wait_dma2 semaphore(%arg9 : memref<!tpu.dma_semaphore, #tpu.memory_space<semaphore_mem>>) src(%dma_wait3A_250 : memref<8x1792xf32, #tpu.memory_space<hbm>>) dst(%dma_wait3A_248 : memref<8x1792xf32, #tpu.memory_space<vmem>>)
      %dma_start3A_251 = arith.constant 0 : i32
      %dma_start3A_252 = arith.constant 0 : i32
      %dma_start3A_253 = tpu.memref_slice %arg4[%dma_start3A_251, %dma_start3A_252] : memref<8x3584xf32, #tpu.memory_space<vmem>> -> memref<8x1792xf32, #tpu.memory_space<vmem>>
      %dma_start3A_254 = arith.constant 48256 : i32
      %dma_start3A_255 = tpu.memref_slice %arg3[%mul3A_32, %dma_start3A_254] : memref<64x100000xf32, #tpu.memory_space<hbm>> -> memref<8x1792xf32, #tpu.memory_space<hbm>>
      %dma_start3A_256 = arith.constant 48256 : i32
      %dma_start3A_257 = tpu.memref_slice %arg3[%mul3A_32, %dma_start3A_256] : memref<64x100000xf32, #tpu.memory_space<hbm>> -> memref<8x1792xf32, #tpu.memory_space<hbm>>
      %dma_start3A_258 = arith.constant 0 : i32
      %dma_start3A_259 = arith.constant 0 : i32
      %dma_start3A_260 = tpu.memref_slice %arg4[%dma_start3A_258, %dma_start3A_259] : memref<8x3584xf32, #tpu.memory_space<vmem>> -> memref<8x1792xf32, #tpu.memory_space<vmem>>
      tpu.enqueue_dma source(%dma_start3A_260 : memref<8x1792xf32, #tpu.memory_space<vmem>>) target(%dma_start3A_257 : memref<8x1792xf32, #tpu.memory_space<hbm>>) target_semaphore(%arg13 : memref<!tpu.dma_semaphore, #tpu.memory_space<semaphore_mem>>)
      %dma_wait3A_261 = arith.constant 38528 : i32
      %dma_wait3A_262 = tpu.memref_slice %arg3[%mul3A_32, %dma_wait3A_261] : memref<64x100000xf32, #tpu.memory_space<hbm>> -> memref<8x3584xf32, #tpu.memory_space<hbm>>
      %dma_wait3A_263 = arith.constant 38528 : i32
      %dma_wait3A_264 = tpu.memref_slice %arg3[%mul3A_32, %dma_wait3A_263] : memref<64x100000xf32, #tpu.memory_space<hbm>> -> memref<8x3584xf32, #tpu.memory_space<hbm>>
      tpu.wait_dma2 semaphore(%arg14 : memref<!tpu.dma_semaphore, #tpu.memory_space<semaphore_mem>>) src(%arg5 : memref<8x3584xf32, #tpu.memory_space<vmem>>) dst(%dma_wait3A_264 : memref<8x3584xf32, #tpu.memory_space<hbm>>)
      %dma_wait3A_265 = arith.constant 42112 : i32
      %dma_wait3A_266 = tpu.memref_slice %arg3[%mul3A_32, %dma_wait3A_265] : memref<64x100000xf32, #tpu.memory_space<hbm>> -> memref<8x3584xf32, #tpu.memory_space<hbm>>
      %dma_wait3A_267 = arith.constant 42112 : i32
      %dma_wait3A_268 = tpu.memref_slice %arg3[%mul3A_32, %dma_wait3A_267] : memref<64x100000xf32, #tpu.memory_space<hbm>> -> memref<8x3584xf32, #tpu.memory_space<hbm>>
      tpu.wait_dma2 semaphore(%arg15 : memref<!tpu.dma_semaphore, #tpu.memory_space<semaphore_mem>>) src(%arg6 : memref<8x3584xf32, #tpu.memory_space<vmem>>) dst(%dma_wait3A_268 : memref<8x3584xf32, #tpu.memory_space<hbm>>)
      %dma_wait3A_269 = arith.constant 0 : i32
      %dma_wait3A_270 = arith.constant 0 : i32
      %dma_wait3A_271 = tpu.memref_slice %arg7[%dma_wait3A_269, %dma_wait3A_270] : memref<8x3584xf32, #tpu.memory_space<vmem>> -> memref<8x2560xf32, #tpu.memory_space<vmem>>
      %dma_wait3A_272 = arith.constant 45696 : i32
      %dma_wait3A_273 = tpu.memref_slice %arg3[%mul3A_32, %dma_wait3A_272] : memref<64x100000xf32, #tpu.memory_space<hbm>> -> memref<8x2560xf32, #tpu.memory_space<hbm>>
      %dma_wait3A_274 = arith.constant 45696 : i32
      %dma_wait3A_275 = tpu.memref_slice %arg3[%mul3A_32, %dma_wait3A_274] : memref<64x100000xf32, #tpu.memory_space<hbm>> -> memref<8x2560xf32, #tpu.memory_space<hbm>>
      %dma_wait3A_276 = arith.constant 0 : i32
      %dma_wait3A_277 = arith.constant 0 : i32
      %dma_wait3A_278 = tpu.memref_slice %arg7[%dma_wait3A_276, %dma_wait3A_277] : memref<8x3584xf32, #tpu.memory_space<vmem>> -> memref<8x2560xf32, #tpu.memory_space<vmem>>
      tpu.wait_dma2 semaphore(%arg16 : memref<!tpu.dma_semaphore, #tpu.memory_space<semaphore_mem>>) src(%dma_wait3A_278 : memref<8x2560xf32, #tpu.memory_space<vmem>>) dst(%dma_wait3A_275 : memref<8x2560xf32, #tpu.memory_space<hbm>>)
      %dma_wait3A_279 = arith.constant 0 : i32
      %dma_wait3A_280 = arith.constant 0 : i32
      %dma_wait3A_281 = tpu.memref_slice %arg4[%dma_wait3A_279, %dma_wait3A_280] : memref<8x3584xf32, #tpu.memory_space<vmem>> -> memref<8x1792xf32, #tpu.memory_space<vmem>>
      %dma_wait3A_282 = arith.constant 48256 : i32
      %dma_wait3A_283 = tpu.memref_slice %arg3[%mul3A_32, %dma_wait3A_282] : memref<64x100000xf32, #tpu.memory_space<hbm>> -> memref<8x1792xf32, #tpu.memory_space<hbm>>
      %dma_wait3A_284 = arith.constant 48256 : i32
      %dma_wait3A_285 = tpu.memref_slice %arg3[%mul3A_32, %dma_wait3A_284] : memref<64x100000xf32, #tpu.memory_space<hbm>> -> memref<8x1792xf32, #tpu.memory_space<hbm>>
      %dma_wait3A_286 = arith.constant 0 : i32
      %dma_wait3A_287 = arith.constant 0 : i32
      %dma_wait3A_288 = tpu.memref_slice %arg4[%dma_wait3A_286, %dma_wait3A_287] : memref<8x3584xf32, #tpu.memory_space<vmem>> -> memref<8x1792xf32, #tpu.memory_space<vmem>>
      tpu.wait_dma2 semaphore(%arg13 : memref<!tpu.dma_semaphore, #tpu.memory_space<semaphore_mem>>) src(%dma_wait3A_288 : memref<8x1792xf32, #tpu.memory_space<vmem>>) dst(%dma_wait3A_285 : memref<8x1792xf32, #tpu.memory_space<hbm>>)
    } else {
    }
    %eq3A_41 = arith.constant 2 : i32
    %eq3A_42 = arith.cmpi eq, %select_n3A, %eq3A_41 : i32
    %convert_element_type3A_43 = arith.extui %eq3A_42 : i1 to i32
    %cond3A_44 = arith.constant 0 : i32
    %cond3A_45 = arith.cmpi ne, %convert_element_type3A_43, %cond3A_44 : i32
    scf.if %cond3A_45 {
      %dma_start3A = arith.constant 0 : i32
      %dma_start3A_51 = arith.constant 0 : i32
      %dma_start3A_52 = tpu.memref_slice %arg4[%dma_start3A, %dma_start3A_51] : memref<8x3584xf32, #tpu.memory_space<vmem>> -> memref<8x896xf32, #tpu.memory_space<vmem>>
      %dma_start3A_53 = arith.constant 50048 : i32
      %dma_start3A_54 = tpu.memref_slice %arg2[%mul3A_32, %dma_start3A_53] : memref<64x100000xf32, #tpu.memory_space<hbm>> -> memref<8x896xf32, #tpu.memory_space<hbm>>
      %dma_start3A_55 = arith.constant 0 : i32
      %dma_start3A_56 = arith.constant 0 : i32
      %dma_start3A_57 = tpu.memref_slice %arg4[%dma_start3A_55, %dma_start3A_56] : memref<8x3584xf32, #tpu.memory_space<vmem>> -> memref<8x896xf32, #tpu.memory_space<vmem>>
      %dma_start3A_58 = arith.constant 50048 : i32
      %dma_start3A_59 = tpu.memref_slice %arg2[%mul3A_32, %dma_start3A_58] : memref<64x100000xf32, #tpu.memory_space<hbm>> -> memref<8x896xf32, #tpu.memory_space<hbm>>
      tpu.enqueue_dma source(%dma_start3A_59 : memref<8x896xf32, #tpu.memory_space<hbm>>) target(%dma_start3A_57 : memref<8x896xf32, #tpu.memory_space<vmem>>) target_semaphore(%arg9 : memref<!tpu.dma_semaphore, #tpu.memory_space<semaphore_mem>>)
      %dma_start3A_60 = arith.constant 0 : i32
      %dma_start3A_61 = arith.constant 0 : i32
      %dma_start3A_62 = tpu.memref_slice %arg5[%dma_start3A_60, %dma_start3A_61] : memref<8x3584xf32, #tpu.memory_space<vmem>> -> memref<8x1792xf32, #tpu.memory_space<vmem>>
      %dma_start3A_63 = arith.constant 50944 : i32
      %dma_start3A_64 = tpu.memref_slice %arg2[%mul3A_32, %dma_start3A_63] : memref<64x100000xf32, #tpu.memory_space<hbm>> -> memref<8x1792xf32, #tpu.memory_space<hbm>>
      %dma_start3A_65 = arith.constant 0 : i32
      %dma_start3A_66 = arith.constant 0 : i32
      %dma_start3A_67 = tpu.memref_slice %arg5[%dma_start3A_65, %dma_start3A_66] : memref<8x3584xf32, #tpu.memory_space<vmem>> -> memref<8x1792xf32, #tpu.memory_space<vmem>>
      %dma_start3A_68 = arith.constant 50944 : i32
      %dma_start3A_69 = tpu.memref_slice %arg2[%mul3A_32, %dma_start3A_68] : memref<64x100000xf32, #tpu.memory_space<hbm>> -> memref<8x1792xf32, #tpu.memory_space<hbm>>
      tpu.enqueue_dma source(%dma_start3A_69 : memref<8x1792xf32, #tpu.memory_space<hbm>>) target(%dma_start3A_67 : memref<8x1792xf32, #tpu.memory_space<vmem>>) target_semaphore(%arg10 : memref<!tpu.dma_semaphore, #tpu.memory_space<semaphore_mem>>)
      %dma_start3A_70 = arith.constant 52736 : i32
      %dma_start3A_71 = tpu.memref_slice %arg2[%mul3A_32, %dma_start3A_70] : memref<64x100000xf32, #tpu.memory_space<hbm>> -> memref<8x3584xf32, #tpu.memory_space<hbm>>
      %dma_start3A_72 = arith.constant 52736 : i32
      %dma_start3A_73 = tpu.memref_slice %arg2[%mul3A_32, %dma_start3A_72] : memref<64x100000xf32, #tpu.memory_space<hbm>> -> memref<8x3584xf32, #tpu.memory_space<hbm>>
      tpu.enqueue_dma source(%dma_start3A_73 : memref<8x3584xf32, #tpu.memory_space<hbm>>) target(%arg6 : memref<8x3584xf32, #tpu.memory_space<vmem>>) target_semaphore(%arg11 : memref<!tpu.dma_semaphore, #tpu.memory_space<semaphore_mem>>)
      %dma_start3A_74 = arith.constant 56320 : i32
      %dma_start3A_75 = tpu.memref_slice %arg2[%mul3A_32, %dma_start3A_74] : memref<64x100000xf32, #tpu.memory_space<hbm>> -> memref<8x3584xf32, #tpu.memory_space<hbm>>
      %dma_start3A_76 = arith.constant 56320 : i32
      %dma_start3A_77 = tpu.memref_slice %arg2[%mul3A_32, %dma_start3A_76] : memref<64x100000xf32, #tpu.memory_space<hbm>> -> memref<8x3584xf32, #tpu.memory_space<hbm>>
      tpu.enqueue_dma source(%dma_start3A_77 : memref<8x3584xf32, #tpu.memory_space<hbm>>) target(%arg7 : memref<8x3584xf32, #tpu.memory_space<vmem>>) target_semaphore(%arg12 : memref<!tpu.dma_semaphore, #tpu.memory_space<semaphore_mem>>)
      %dma_wait3A = arith.constant 0 : i32
      %dma_wait3A_78 = arith.constant 0 : i32
      %dma_wait3A_79 = tpu.memref_slice %arg4[%dma_wait3A, %dma_wait3A_78] : memref<8x3584xf32, #tpu.memory_space<vmem>> -> memref<8x896xf32, #tpu.memory_space<vmem>>
      %dma_wait3A_80 = arith.constant 50048 : i32
      %dma_wait3A_81 = tpu.memref_slice %arg2[%mul3A_32, %dma_wait3A_80] : memref<64x100000xf32, #tpu.memory_space<hbm>> -> memref<8x896xf32, #tpu.memory_space<hbm>>
      %dma_wait3A_82 = arith.constant 0 : i32
      %dma_wait3A_83 = arith.constant 0 : i32
      %dma_wait3A_84 = tpu.memref_slice %arg4[%dma_wait3A_82, %dma_wait3A_83] : memref<8x3584xf32, #tpu.memory_space<vmem>> -> memref<8x896xf32, #tpu.memory_space<vmem>>
      %dma_wait3A_85 = arith.constant 50048 : i32
      %dma_wait3A_86 = tpu.memref_slice %arg2[%mul3A_32, %dma_wait3A_85] : memref<64x100000xf32, #tpu.memory_space<hbm>> -> memref<8x896xf32, #tpu.memory_space<hbm>>
      tpu.wait_dma2 semaphore(%arg9 : memref<!tpu.dma_semaphore, #tpu.memory_space<semaphore_mem>>) src(%dma_wait3A_86 : memref<8x896xf32, #tpu.memory_space<hbm>>) dst(%dma_wait3A_84 : memref<8x896xf32, #tpu.memory_space<vmem>>)
      %dma_start3A_87 = arith.constant 0 : i32
      %dma_start3A_88 = arith.constant 0 : i32
      %dma_start3A_89 = tpu.memref_slice %arg4[%dma_start3A_87, %dma_start3A_88] : memref<8x3584xf32, #tpu.memory_space<vmem>> -> memref<8x896xf32, #tpu.memory_space<vmem>>
      %dma_start3A_90 = arith.constant 50048 : i32
      %dma_start3A_91 = tpu.memref_slice %arg3[%mul3A_32, %dma_start3A_90] : memref<64x100000xf32, #tpu.memory_space<hbm>> -> memref<8x896xf32, #tpu.memory_space<hbm>>
      %dma_start3A_92 = arith.constant 50048 : i32
      %dma_start3A_93 = tpu.memref_slice %arg3[%mul3A_32, %dma_start3A_92] : memref<64x100000xf32, #tpu.memory_space<hbm>> -> memref<8x896xf32, #tpu.memory_space<hbm>>
      %dma_start3A_94 = arith.constant 0 : i32
      %dma_start3A_95 = arith.constant 0 : i32
      %dma_start3A_96 = tpu.memref_slice %arg4[%dma_start3A_94, %dma_start3A_95] : memref<8x3584xf32, #tpu.memory_space<vmem>> -> memref<8x896xf32, #tpu.memory_space<vmem>>
      tpu.enqueue_dma source(%dma_start3A_96 : memref<8x896xf32, #tpu.memory_space<vmem>>) target(%dma_start3A_93 : memref<8x896xf32, #tpu.memory_space<hbm>>) target_semaphore(%arg13 : memref<!tpu.dma_semaphore, #tpu.memory_space<semaphore_mem>>)
      %dma_wait3A_97 = arith.constant 0 : i32
      %dma_wait3A_98 = arith.constant 0 : i32
      %dma_wait3A_99 = tpu.memref_slice %arg4[%dma_wait3A_97, %dma_wait3A_98] : memref<8x3584xf32, #tpu.memory_space<vmem>> -> memref<8x896xf32, #tpu.memory_space<vmem>>
      %dma_wait3A_100 = arith.constant 50048 : i32
      %dma_wait3A_101 = tpu.memref_slice %arg3[%mul3A_32, %dma_wait3A_100] : memref<64x100000xf32, #tpu.memory_space<hbm>> -> memref<8x896xf32, #tpu.memory_space<hbm>>
      %dma_wait3A_102 = arith.constant 50048 : i32
      %dma_wait3A_103 = tpu.memref_slice %arg3[%mul3A_32, %dma_wait3A_102] : memref<64x100000xf32, #tpu.memory_space<hbm>> -> memref<8x896xf32, #tpu.memory_space<hbm>>
      %dma_wait3A_104 = arith.constant 0 : i32
      %dma_wait3A_105 = arith.constant 0 : i32
      %dma_wait3A_106 = tpu.memref_slice %arg4[%dma_wait3A_104, %dma_wait3A_105] : memref<8x3584xf32, #tpu.memory_space<vmem>> -> memref<8x896xf32, #tpu.memory_space<vmem>>
      tpu.wait_dma2 semaphore(%arg13 : memref<!tpu.dma_semaphore, #tpu.memory_space<semaphore_mem>>) src(%dma_wait3A_106 : memref<8x896xf32, #tpu.memory_space<vmem>>) dst(%dma_wait3A_103 : memref<8x896xf32, #tpu.memory_space<hbm>>)
      %dma_start3A_107 = arith.constant 59904 : i32
      %dma_start3A_108 = tpu.memref_slice %arg2[%mul3A_32, %dma_start3A_107] : memref<64x100000xf32, #tpu.memory_space<hbm>> -> memref<8x3584xf32, #tpu.memory_space<hbm>>
      %dma_start3A_109 = arith.constant 59904 : i32
      %dma_start3A_110 = tpu.memref_slice %arg2[%mul3A_32, %dma_start3A_109] : memref<64x100000xf32, #tpu.memory_space<hbm>> -> memref<8x3584xf32, #tpu.memory_space<hbm>>
      tpu.enqueue_dma source(%dma_start3A_110 : memref<8x3584xf32, #tpu.memory_space<hbm>>) target(%arg4 : memref<8x3584xf32, #tpu.memory_space<vmem>>) target_semaphore(%arg9 : memref<!tpu.dma_semaphore, #tpu.memory_space<semaphore_mem>>)
      %dma_wait3A_111 = arith.constant 0 : i32
      %dma_wait3A_112 = arith.constant 0 : i32
      %dma_wait3A_113 = tpu.memref_slice %arg5[%dma_wait3A_111, %dma_wait3A_112] : memref<8x3584xf32, #tpu.memory_space<vmem>> -> memref<8x1792xf32, #tpu.memory_space<vmem>>
      %dma_wait3A_114 = arith.constant 50944 : i32
      %dma_wait3A_115 = tpu.memref_slice %arg2[%mul3A_32, %dma_wait3A_114] : memref<64x100000xf32, #tpu.memory_space<hbm>> -> memref<8x1792xf32, #tpu.memory_space<hbm>>
      %dma_wait3A_116 = arith.constant 0 : i32
      %dma_wait3A_117 = arith.constant 0 : i32
      %dma_wait3A_118 = tpu.memref_slice %arg5[%dma_wait3A_116, %dma_wait3A_117] : memref<8x3584xf32, #tpu.memory_space<vmem>> -> memref<8x1792xf32, #tpu.memory_space<vmem>>
      %dma_wait3A_119 = arith.constant 50944 : i32
      %dma_wait3A_120 = tpu.memref_slice %arg2[%mul3A_32, %dma_wait3A_119] : memref<64x100000xf32, #tpu.memory_space<hbm>> -> memref<8x1792xf32, #tpu.memory_space<hbm>>
      tpu.wait_dma2 semaphore(%arg10 : memref<!tpu.dma_semaphore, #tpu.memory_space<semaphore_mem>>) src(%dma_wait3A_120 : memref<8x1792xf32, #tpu.memory_space<hbm>>) dst(%dma_wait3A_118 : memref<8x1792xf32, #tpu.memory_space<vmem>>)
      %dma_start3A_121 = arith.constant 0 : i32
      %dma_start3A_122 = arith.constant 0 : i32
      %dma_start3A_123 = tpu.memref_slice %arg5[%dma_start3A_121, %dma_start3A_122] : memref<8x3584xf32, #tpu.memory_space<vmem>> -> memref<8x1792xf32, #tpu.memory_space<vmem>>
      %dma_start3A_124 = arith.constant 50944 : i32
      %dma_start3A_125 = tpu.memref_slice %arg3[%mul3A_32, %dma_start3A_124] : memref<64x100000xf32, #tpu.memory_space<hbm>> -> memref<8x1792xf32, #tpu.memory_space<hbm>>
      %dma_start3A_126 = arith.constant 50944 : i32
      %dma_start3A_127 = tpu.memref_slice %arg3[%mul3A_32, %dma_start3A_126] : memref<64x100000xf32, #tpu.memory_space<hbm>> -> memref<8x1792xf32, #tpu.memory_space<hbm>>
      %dma_start3A_128 = arith.constant 0 : i32
      %dma_start3A_129 = arith.constant 0 : i32
      %dma_start3A_130 = tpu.memref_slice %arg5[%dma_start3A_128, %dma_start3A_129] : memref<8x3584xf32, #tpu.memory_space<vmem>> -> memref<8x1792xf32, #tpu.memory_space<vmem>>
      tpu.enqueue_dma source(%dma_start3A_130 : memref<8x1792xf32, #tpu.memory_space<vmem>>) target(%dma_start3A_127 : memref<8x1792xf32, #tpu.memory_space<hbm>>) target_semaphore(%arg14 : memref<!tpu.dma_semaphore, #tpu.memory_space<semaphore_mem>>)
      %dma_wait3A_131 = arith.constant 0 : i32
      %dma_wait3A_132 = arith.constant 0 : i32
      %dma_wait3A_133 = tpu.memref_slice %arg5[%dma_wait3A_131, %dma_wait3A_132] : memref<8x3584xf32, #tpu.memory_space<vmem>> -> memref<8x1792xf32, #tpu.memory_space<vmem>>
      %dma_wait3A_134 = arith.constant 50944 : i32
      %dma_wait3A_135 = tpu.memref_slice %arg3[%mul3A_32, %dma_wait3A_134] : memref<64x100000xf32, #tpu.memory_space<hbm>> -> memref<8x1792xf32, #tpu.memory_space<hbm>>
      %dma_wait3A_136 = arith.constant 50944 : i32
      %dma_wait3A_137 = tpu.memref_slice %arg3[%mul3A_32, %dma_wait3A_136] : memref<64x100000xf32, #tpu.memory_space<hbm>> -> memref<8x1792xf32, #tpu.memory_space<hbm>>
      %dma_wait3A_138 = arith.constant 0 : i32
      %dma_wait3A_139 = arith.constant 0 : i32
      %dma_wait3A_140 = tpu.memref_slice %arg5[%dma_wait3A_138, %dma_wait3A_139] : memref<8x3584xf32, #tpu.memory_space<vmem>> -> memref<8x1792xf32, #tpu.memory_space<vmem>>
      tpu.wait_dma2 semaphore(%arg14 : memref<!tpu.dma_semaphore, #tpu.memory_space<semaphore_mem>>) src(%dma_wait3A_140 : memref<8x1792xf32, #tpu.memory_space<vmem>>) dst(%dma_wait3A_137 : memref<8x1792xf32, #tpu.memory_space<hbm>>)
      %dma_start3A_141 = arith.constant 63488 : i32
      %dma_start3A_142 = tpu.memref_slice %arg2[%mul3A_32, %dma_start3A_141] : memref<64x100000xf32, #tpu.memory_space<hbm>> -> memref<8x3584xf32, #tpu.memory_space<hbm>>
      %dma_start3A_143 = arith.constant 63488 : i32
      %dma_start3A_144 = tpu.memref_slice %arg2[%mul3A_32, %dma_start3A_143] : memref<64x100000xf32, #tpu.memory_space<hbm>> -> memref<8x3584xf32, #tpu.memory_space<hbm>>
      tpu.enqueue_dma source(%dma_start3A_144 : memref<8x3584xf32, #tpu.memory_space<hbm>>) target(%arg5 : memref<8x3584xf32, #tpu.memory_space<vmem>>) target_semaphore(%arg10 : memref<!tpu.dma_semaphore, #tpu.memory_space<semaphore_mem>>)
      %dma_wait3A_145 = arith.constant 52736 : i32
      %dma_wait3A_146 = tpu.memref_slice %arg2[%mul3A_32, %dma_wait3A_145] : memref<64x100000xf32, #tpu.memory_space<hbm>> -> memref<8x3584xf32, #tpu.memory_space<hbm>>
      %dma_wait3A_147 = arith.constant 52736 : i32
      %dma_wait3A_148 = tpu.memref_slice %arg2[%mul3A_32, %dma_wait3A_147] : memref<64x100000xf32, #tpu.memory_space<hbm>> -> memref<8x3584xf32, #tpu.memory_space<hbm>>
      tpu.wait_dma2 semaphore(%arg11 : memref<!tpu.dma_semaphore, #tpu.memory_space<semaphore_mem>>) src(%dma_wait3A_148 : memref<8x3584xf32, #tpu.memory_space<hbm>>) dst(%arg6 : memref<8x3584xf32, #tpu.memory_space<vmem>>)
      %dma_start3A_149 = arith.constant 52736 : i32
      %dma_start3A_150 = tpu.memref_slice %arg3[%mul3A_32, %dma_start3A_149] : memref<64x100000xf32, #tpu.memory_space<hbm>> -> memref<8x3584xf32, #tpu.memory_space<hbm>>
      %dma_start3A_151 = arith.constant 52736 : i32
      %dma_start3A_152 = tpu.memref_slice %arg3[%mul3A_32, %dma_start3A_151] : memref<64x100000xf32, #tpu.memory_space<hbm>> -> memref<8x3584xf32, #tpu.memory_space<hbm>>
      tpu.enqueue_dma source(%arg6 : memref<8x3584xf32, #tpu.memory_space<vmem>>) target(%dma_start3A_152 : memref<8x3584xf32, #tpu.memory_space<hbm>>) target_semaphore(%arg15 : memref<!tpu.dma_semaphore, #tpu.memory_space<semaphore_mem>>)
      %dma_wait3A_153 = arith.constant 52736 : i32
      %dma_wait3A_154 = tpu.memref_slice %arg3[%mul3A_32, %dma_wait3A_153] : memref<64x100000xf32, #tpu.memory_space<hbm>> -> memref<8x3584xf32, #tpu.memory_space<hbm>>
      %dma_wait3A_155 = arith.constant 52736 : i32
      %dma_wait3A_156 = tpu.memref_slice %arg3[%mul3A_32, %dma_wait3A_155] : memref<64x100000xf32, #tpu.memory_space<hbm>> -> memref<8x3584xf32, #tpu.memory_space<hbm>>
      tpu.wait_dma2 semaphore(%arg15 : memref<!tpu.dma_semaphore, #tpu.memory_space<semaphore_mem>>) src(%arg6 : memref<8x3584xf32, #tpu.memory_space<vmem>>) dst(%dma_wait3A_156 : memref<8x3584xf32, #tpu.memory_space<hbm>>)
      %dma_start3A_157 = arith.constant 67072 : i32
      %dma_start3A_158 = tpu.memref_slice %arg2[%mul3A_32, %dma_start3A_157] : memref<64x100000xf32, #tpu.memory_space<hbm>> -> memref<8x3584xf32, #tpu.memory_space<hbm>>
      %dma_start3A_159 = arith.constant 67072 : i32
      %dma_start3A_160 = tpu.memref_slice %arg2[%mul3A_32, %dma_start3A_159] : memref<64x100000xf32, #tpu.memory_space<hbm>> -> memref<8x3584xf32, #tpu.memory_space<hbm>>
      tpu.enqueue_dma source(%dma_start3A_160 : memref<8x3584xf32, #tpu.memory_space<hbm>>) target(%arg6 : memref<8x3584xf32, #tpu.memory_space<vmem>>) target_semaphore(%arg11 : memref<!tpu.dma_semaphore, #tpu.memory_space<semaphore_mem>>)
      %dma_wait3A_161 = arith.constant 56320 : i32
      %dma_wait3A_162 = tpu.memref_slice %arg2[%mul3A_32, %dma_wait3A_161] : memref<64x100000xf32, #tpu.memory_space<hbm>> -> memref<8x3584xf32, #tpu.memory_space<hbm>>
      %dma_wait3A_163 = arith.constant 56320 : i32
      %dma_wait3A_164 = tpu.memref_slice %arg2[%mul3A_32, %dma_wait3A_163] : memref<64x100000xf32, #tpu.memory_space<hbm>> -> memref<8x3584xf32, #tpu.memory_space<hbm>>
      tpu.wait_dma2 semaphore(%arg12 : memref<!tpu.dma_semaphore, #tpu.memory_space<semaphore_mem>>) src(%dma_wait3A_164 : memref<8x3584xf32, #tpu.memory_space<hbm>>) dst(%arg7 : memref<8x3584xf32, #tpu.memory_space<vmem>>)
      %dma_start3A_165 = arith.constant 56320 : i32
      %dma_start3A_166 = tpu.memref_slice %arg3[%mul3A_32, %dma_start3A_165] : memref<64x100000xf32, #tpu.memory_space<hbm>> -> memref<8x3584xf32, #tpu.memory_space<hbm>>
      %dma_start3A_167 = arith.constant 56320 : i32
      %dma_start3A_168 = tpu.memref_slice %arg3[%mul3A_32, %dma_start3A_167] : memref<64x100000xf32, #tpu.memory_space<hbm>> -> memref<8x3584xf32, #tpu.memory_space<hbm>>
      tpu.enqueue_dma source(%arg7 : memref<8x3584xf32, #tpu.memory_space<vmem>>) target(%dma_start3A_168 : memref<8x3584xf32, #tpu.memory_space<hbm>>) target_semaphore(%arg16 : memref<!tpu.dma_semaphore, #tpu.memory_space<semaphore_mem>>)
      %dma_wait3A_169 = arith.constant 56320 : i32
      %dma_wait3A_170 = tpu.memref_slice %arg3[%mul3A_32, %dma_wait3A_169] : memref<64x100000xf32, #tpu.memory_space<hbm>> -> memref<8x3584xf32, #tpu.memory_space<hbm>>
      %dma_wait3A_171 = arith.constant 56320 : i32
      %dma_wait3A_172 = tpu.memref_slice %arg3[%mul3A_32, %dma_wait3A_171] : memref<64x100000xf32, #tpu.memory_space<hbm>> -> memref<8x3584xf32, #tpu.memory_space<hbm>>
      tpu.wait_dma2 semaphore(%arg16 : memref<!tpu.dma_semaphore, #tpu.memory_space<semaphore_mem>>) src(%arg7 : memref<8x3584xf32, #tpu.memory_space<vmem>>) dst(%dma_wait3A_172 : memref<8x3584xf32, #tpu.memory_space<hbm>>)
      %dma_start3A_173 = arith.constant 0 : i32
      %dma_start3A_174 = arith.constant 0 : i32
      %dma_start3A_175 = tpu.memref_slice %arg7[%dma_start3A_173, %dma_start3A_174] : memref<8x3584xf32, #tpu.memory_space<vmem>> -> memref<8x2560xf32, #tpu.memory_space<vmem>>
      %dma_start3A_176 = arith.constant 70656 : i32
      %dma_start3A_177 = tpu.memref_slice %arg2[%mul3A_32, %dma_start3A_176] : memref<64x100000xf32, #tpu.memory_space<hbm>> -> memref<8x2560xf32, #tpu.memory_space<hbm>>
      %dma_start3A_178 = arith.constant 0 : i32
      %dma_start3A_179 = arith.constant 0 : i32
      %dma_start3A_180 = tpu.memref_slice %arg7[%dma_start3A_178, %dma_start3A_179] : memref<8x3584xf32, #tpu.memory_space<vmem>> -> memref<8x2560xf32, #tpu.memory_space<vmem>>
      %dma_start3A_181 = arith.constant 70656 : i32
      %dma_start3A_182 = tpu.memref_slice %arg2[%mul3A_32, %dma_start3A_181] : memref<64x100000xf32, #tpu.memory_space<hbm>> -> memref<8x2560xf32, #tpu.memory_space<hbm>>
      tpu.enqueue_dma source(%dma_start3A_182 : memref<8x2560xf32, #tpu.memory_space<hbm>>) target(%dma_start3A_180 : memref<8x2560xf32, #tpu.memory_space<vmem>>) target_semaphore(%arg12 : memref<!tpu.dma_semaphore, #tpu.memory_space<semaphore_mem>>)
      %dma_wait3A_183 = arith.constant 59904 : i32
      %dma_wait3A_184 = tpu.memref_slice %arg2[%mul3A_32, %dma_wait3A_183] : memref<64x100000xf32, #tpu.memory_space<hbm>> -> memref<8x3584xf32, #tpu.memory_space<hbm>>
      %dma_wait3A_185 = arith.constant 59904 : i32
      %dma_wait3A_186 = tpu.memref_slice %arg2[%mul3A_32, %dma_wait3A_185] : memref<64x100000xf32, #tpu.memory_space<hbm>> -> memref<8x3584xf32, #tpu.memory_space<hbm>>
      tpu.wait_dma2 semaphore(%arg9 : memref<!tpu.dma_semaphore, #tpu.memory_space<semaphore_mem>>) src(%dma_wait3A_186 : memref<8x3584xf32, #tpu.memory_space<hbm>>) dst(%arg4 : memref<8x3584xf32, #tpu.memory_space<vmem>>)
      %dma_start3A_187 = arith.constant 59904 : i32
      %dma_start3A_188 = tpu.memref_slice %arg3[%mul3A_32, %dma_start3A_187] : memref<64x100000xf32, #tpu.memory_space<hbm>> -> memref<8x3584xf32, #tpu.memory_space<hbm>>
      %dma_start3A_189 = arith.constant 59904 : i32
      %dma_start3A_190 = tpu.memref_slice %arg3[%mul3A_32, %dma_start3A_189] : memref<64x100000xf32, #tpu.memory_space<hbm>> -> memref<8x3584xf32, #tpu.memory_space<hbm>>
      tpu.enqueue_dma source(%arg4 : memref<8x3584xf32, #tpu.memory_space<vmem>>) target(%dma_start3A_190 : memref<8x3584xf32, #tpu.memory_space<hbm>>) target_semaphore(%arg13 : memref<!tpu.dma_semaphore, #tpu.memory_space<semaphore_mem>>)
      %dma_wait3A_191 = arith.constant 59904 : i32
      %dma_wait3A_192 = tpu.memref_slice %arg3[%mul3A_32, %dma_wait3A_191] : memref<64x100000xf32, #tpu.memory_space<hbm>> -> memref<8x3584xf32, #tpu.memory_space<hbm>>
      %dma_wait3A_193 = arith.constant 59904 : i32
      %dma_wait3A_194 = tpu.memref_slice %arg3[%mul3A_32, %dma_wait3A_193] : memref<64x100000xf32, #tpu.memory_space<hbm>> -> memref<8x3584xf32, #tpu.memory_space<hbm>>
      tpu.wait_dma2 semaphore(%arg13 : memref<!tpu.dma_semaphore, #tpu.memory_space<semaphore_mem>>) src(%arg4 : memref<8x3584xf32, #tpu.memory_space<vmem>>) dst(%dma_wait3A_194 : memref<8x3584xf32, #tpu.memory_space<hbm>>)
      %dma_start3A_195 = arith.constant 0 : i32
      %dma_start3A_196 = arith.constant 0 : i32
      %dma_start3A_197 = tpu.memref_slice %arg4[%dma_start3A_195, %dma_start3A_196] : memref<8x3584xf32, #tpu.memory_space<vmem>> -> memref<8x1792xf32, #tpu.memory_space<vmem>>
      %dma_start3A_198 = arith.constant 73216 : i32
      %dma_start3A_199 = tpu.memref_slice %arg2[%mul3A_32, %dma_start3A_198] : memref<64x100000xf32, #tpu.memory_space<hbm>> -> memref<8x1792xf32, #tpu.memory_space<hbm>>
      %dma_start3A_200 = arith.constant 0 : i32
      %dma_start3A_201 = arith.constant 0 : i32
      %dma_start3A_202 = tpu.memref_slice %arg4[%dma_start3A_200, %dma_start3A_201] : memref<8x3584xf32, #tpu.memory_space<vmem>> -> memref<8x1792xf32, #tpu.memory_space<vmem>>
      %dma_start3A_203 = arith.constant 73216 : i32
      %dma_start3A_204 = tpu.memref_slice %arg2[%mul3A_32, %dma_start3A_203] : memref<64x100000xf32, #tpu.memory_space<hbm>> -> memref<8x1792xf32, #tpu.memory_space<hbm>>
      tpu.enqueue_dma source(%dma_start3A_204 : memref<8x1792xf32, #tpu.memory_space<hbm>>) target(%dma_start3A_202 : memref<8x1792xf32, #tpu.memory_space<vmem>>) target_semaphore(%arg9 : memref<!tpu.dma_semaphore, #tpu.memory_space<semaphore_mem>>)
      %dma_wait3A_205 = arith.constant 63488 : i32
      %dma_wait3A_206 = tpu.memref_slice %arg2[%mul3A_32, %dma_wait3A_205] : memref<64x100000xf32, #tpu.memory_space<hbm>> -> memref<8x3584xf32, #tpu.memory_space<hbm>>
      %dma_wait3A_207 = arith.constant 63488 : i32
      %dma_wait3A_208 = tpu.memref_slice %arg2[%mul3A_32, %dma_wait3A_207] : memref<64x100000xf32, #tpu.memory_space<hbm>> -> memref<8x3584xf32, #tpu.memory_space<hbm>>
      tpu.wait_dma2 semaphore(%arg10 : memref<!tpu.dma_semaphore, #tpu.memory_space<semaphore_mem>>) src(%dma_wait3A_208 : memref<8x3584xf32, #tpu.memory_space<hbm>>) dst(%arg5 : memref<8x3584xf32, #tpu.memory_space<vmem>>)
      %dma_start3A_209 = arith.constant 63488 : i32
      %dma_start3A_210 = tpu.memref_slice %arg3[%mul3A_32, %dma_start3A_209] : memref<64x100000xf32, #tpu.memory_space<hbm>> -> memref<8x3584xf32, #tpu.memory_space<hbm>>
      %dma_start3A_211 = arith.constant 63488 : i32
      %dma_start3A_212 = tpu.memref_slice %arg3[%mul3A_32, %dma_start3A_211] : memref<64x100000xf32, #tpu.memory_space<hbm>> -> memref<8x3584xf32, #tpu.memory_space<hbm>>
      tpu.enqueue_dma source(%arg5 : memref<8x3584xf32, #tpu.memory_space<vmem>>) target(%dma_start3A_212 : memref<8x3584xf32, #tpu.memory_space<hbm>>) target_semaphore(%arg14 : memref<!tpu.dma_semaphore, #tpu.memory_space<semaphore_mem>>)
      %dma_wait3A_213 = arith.constant 67072 : i32
      %dma_wait3A_214 = tpu.memref_slice %arg2[%mul3A_32, %dma_wait3A_213] : memref<64x100000xf32, #tpu.memory_space<hbm>> -> memref<8x3584xf32, #tpu.memory_space<hbm>>
      %dma_wait3A_215 = arith.constant 67072 : i32
      %dma_wait3A_216 = tpu.memref_slice %arg2[%mul3A_32, %dma_wait3A_215] : memref<64x100000xf32, #tpu.memory_space<hbm>> -> memref<8x3584xf32, #tpu.memory_space<hbm>>
      tpu.wait_dma2 semaphore(%arg11 : memref<!tpu.dma_semaphore, #tpu.memory_space<semaphore_mem>>) src(%dma_wait3A_216 : memref<8x3584xf32, #tpu.memory_space<hbm>>) dst(%arg6 : memref<8x3584xf32, #tpu.memory_space<vmem>>)
      %dma_start3A_217 = arith.constant 67072 : i32
      %dma_start3A_218 = tpu.memref_slice %arg3[%mul3A_32, %dma_start3A_217] : memref<64x100000xf32, #tpu.memory_space<hbm>> -> memref<8x3584xf32, #tpu.memory_space<hbm>>
      %dma_start3A_219 = arith.constant 67072 : i32
      %dma_start3A_220 = tpu.memref_slice %arg3[%mul3A_32, %dma_start3A_219] : memref<64x100000xf32, #tpu.memory_space<hbm>> -> memref<8x3584xf32, #tpu.memory_space<hbm>>
      tpu.enqueue_dma source(%arg6 : memref<8x3584xf32, #tpu.memory_space<vmem>>) target(%dma_start3A_220 : memref<8x3584xf32, #tpu.memory_space<hbm>>) target_semaphore(%arg15 : memref<!tpu.dma_semaphore, #tpu.memory_space<semaphore_mem>>)
      %dma_wait3A_221 = arith.constant 0 : i32
      %dma_wait3A_222 = arith.constant 0 : i32
      %dma_wait3A_223 = tpu.memref_slice %arg7[%dma_wait3A_221, %dma_wait3A_222] : memref<8x3584xf32, #tpu.memory_space<vmem>> -> memref<8x2560xf32, #tpu.memory_space<vmem>>
      %dma_wait3A_224 = arith.constant 70656 : i32
      %dma_wait3A_225 = tpu.memref_slice %arg2[%mul3A_32, %dma_wait3A_224] : memref<64x100000xf32, #tpu.memory_space<hbm>> -> memref<8x2560xf32, #tpu.memory_space<hbm>>
      %dma_wait3A_226 = arith.constant 0 : i32
      %dma_wait3A_227 = arith.constant 0 : i32
      %dma_wait3A_228 = tpu.memref_slice %arg7[%dma_wait3A_226, %dma_wait3A_227] : memref<8x3584xf32, #tpu.memory_space<vmem>> -> memref<8x2560xf32, #tpu.memory_space<vmem>>
      %dma_wait3A_229 = arith.constant 70656 : i32
      %dma_wait3A_230 = tpu.memref_slice %arg2[%mul3A_32, %dma_wait3A_229] : memref<64x100000xf32, #tpu.memory_space<hbm>> -> memref<8x2560xf32, #tpu.memory_space<hbm>>
      tpu.wait_dma2 semaphore(%arg12 : memref<!tpu.dma_semaphore, #tpu.memory_space<semaphore_mem>>) src(%dma_wait3A_230 : memref<8x2560xf32, #tpu.memory_space<hbm>>) dst(%dma_wait3A_228 : memref<8x2560xf32, #tpu.memory_space<vmem>>)
      %dma_start3A_231 = arith.constant 0 : i32
      %dma_start3A_232 = arith.constant 0 : i32
      %dma_start3A_233 = tpu.memref_slice %arg7[%dma_start3A_231, %dma_start3A_232] : memref<8x3584xf32, #tpu.memory_space<vmem>> -> memref<8x2560xf32, #tpu.memory_space<vmem>>
      %dma_start3A_234 = arith.constant 70656 : i32
      %dma_start3A_235 = tpu.memref_slice %arg3[%mul3A_32, %dma_start3A_234] : memref<64x100000xf32, #tpu.memory_space<hbm>> -> memref<8x2560xf32, #tpu.memory_space<hbm>>
      %dma_start3A_236 = arith.constant 70656 : i32
      %dma_start3A_237 = tpu.memref_slice %arg3[%mul3A_32, %dma_start3A_236] : memref<64x100000xf32, #tpu.memory_space<hbm>> -> memref<8x2560xf32, #tpu.memory_space<hbm>>
      %dma_start3A_238 = arith.constant 0 : i32
      %dma_start3A_239 = arith.constant 0 : i32
      %dma_start3A_240 = tpu.memref_slice %arg7[%dma_start3A_238, %dma_start3A_239] : memref<8x3584xf32, #tpu.memory_space<vmem>> -> memref<8x2560xf32, #tpu.memory_space<vmem>>
      tpu.enqueue_dma source(%dma_start3A_240 : memref<8x2560xf32, #tpu.memory_space<vmem>>) target(%dma_start3A_237 : memref<8x2560xf32, #tpu.memory_space<hbm>>) target_semaphore(%arg16 : memref<!tpu.dma_semaphore, #tpu.memory_space<semaphore_mem>>)
      %dma_wait3A_241 = arith.constant 0 : i32
      %dma_wait3A_242 = arith.constant 0 : i32
      %dma_wait3A_243 = tpu.memref_slice %arg4[%dma_wait3A_241, %dma_wait3A_242] : memref<8x3584xf32, #tpu.memory_space<vmem>> -> memref<8x1792xf32, #tpu.memory_space<vmem>>
      %dma_wait3A_244 = arith.constant 73216 : i32
      %dma_wait3A_245 = tpu.memref_slice %arg2[%mul3A_32, %dma_wait3A_244] : memref<64x100000xf32, #tpu.memory_space<hbm>> -> memref<8x1792xf32, #tpu.memory_space<hbm>>
      %dma_wait3A_246 = arith.constant 0 : i32
      %dma_wait3A_247 = arith.constant 0 : i32
      %dma_wait3A_248 = tpu.memref_slice %arg4[%dma_wait3A_246, %dma_wait3A_247] : memref<8x3584xf32, #tpu.memory_space<vmem>> -> memref<8x1792xf32, #tpu.memory_space<vmem>>
      %dma_wait3A_249 = arith.constant 73216 : i32
      %dma_wait3A_250 = tpu.memref_slice %arg2[%mul3A_32, %dma_wait3A_249] : memref<64x100000xf32, #tpu.memory_space<hbm>> -> memref<8x1792xf32, #tpu.memory_space<hbm>>
      tpu.wait_dma2 semaphore(%arg9 : memref<!tpu.dma_semaphore, #tpu.memory_space<semaphore_mem>>) src(%dma_wait3A_250 : memref<8x1792xf32, #tpu.memory_space<hbm>>) dst(%dma_wait3A_248 : memref<8x1792xf32, #tpu.memory_space<vmem>>)
      %dma_start3A_251 = arith.constant 0 : i32
      %dma_start3A_252 = arith.constant 0 : i32
      %dma_start3A_253 = tpu.memref_slice %arg4[%dma_start3A_251, %dma_start3A_252] : memref<8x3584xf32, #tpu.memory_space<vmem>> -> memref<8x1792xf32, #tpu.memory_space<vmem>>
      %dma_start3A_254 = arith.constant 73216 : i32
      %dma_start3A_255 = tpu.memref_slice %arg3[%mul3A_32, %dma_start3A_254] : memref<64x100000xf32, #tpu.memory_space<hbm>> -> memref<8x1792xf32, #tpu.memory_space<hbm>>
      %dma_start3A_256 = arith.constant 73216 : i32
      %dma_start3A_257 = tpu.memref_slice %arg3[%mul3A_32, %dma_start3A_256] : memref<64x100000xf32, #tpu.memory_space<hbm>> -> memref<8x1792xf32, #tpu.memory_space<hbm>>
      %dma_start3A_258 = arith.constant 0 : i32
      %dma_start3A_259 = arith.constant 0 : i32
      %dma_start3A_260 = tpu.memref_slice %arg4[%dma_start3A_258, %dma_start3A_259] : memref<8x3584xf32, #tpu.memory_space<vmem>> -> memref<8x1792xf32, #tpu.memory_space<vmem>>
      tpu.enqueue_dma source(%dma_start3A_260 : memref<8x1792xf32, #tpu.memory_space<vmem>>) target(%dma_start3A_257 : memref<8x1792xf32, #tpu.memory_space<hbm>>) target_semaphore(%arg13 : memref<!tpu.dma_semaphore, #tpu.memory_space<semaphore_mem>>)
      %dma_wait3A_261 = arith.constant 63488 : i32
      %dma_wait3A_262 = tpu.memref_slice %arg3[%mul3A_32, %dma_wait3A_261] : memref<64x100000xf32, #tpu.memory_space<hbm>> -> memref<8x3584xf32, #tpu.memory_space<hbm>>
      %dma_wait3A_263 = arith.constant 63488 : i32
      %dma_wait3A_264 = tpu.memref_slice %arg3[%mul3A_32, %dma_wait3A_263] : memref<64x100000xf32, #tpu.memory_space<hbm>> -> memref<8x3584xf32, #tpu.memory_space<hbm>>
      tpu.wait_dma2 semaphore(%arg14 : memref<!tpu.dma_semaphore, #tpu.memory_space<semaphore_mem>>) src(%arg5 : memref<8x3584xf32, #tpu.memory_space<vmem>>) dst(%dma_wait3A_264 : memref<8x3584xf32, #tpu.memory_space<hbm>>)
      %dma_wait3A_265 = arith.constant 67072 : i32
      %dma_wait3A_266 = tpu.memref_slice %arg3[%mul3A_32, %dma_wait3A_265] : memref<64x100000xf32, #tpu.memory_space<hbm>> -> memref<8x3584xf32, #tpu.memory_space<hbm>>
      %dma_wait3A_267 = arith.constant 67072 : i32
      %dma_wait3A_268 = tpu.memref_slice %arg3[%mul3A_32, %dma_wait3A_267] : memref<64x100000xf32, #tpu.memory_space<hbm>> -> memref<8x3584xf32, #tpu.memory_space<hbm>>
      tpu.wait_dma2 semaphore(%arg15 : memref<!tpu.dma_semaphore, #tpu.memory_space<semaphore_mem>>) src(%arg6 : memref<8x3584xf32, #tpu.memory_space<vmem>>) dst(%dma_wait3A_268 : memref<8x3584xf32, #tpu.memory_space<hbm>>)
      %dma_wait3A_269 = arith.constant 0 : i32
      %dma_wait3A_270 = arith.constant 0 : i32
      %dma_wait3A_271 = tpu.memref_slice %arg7[%dma_wait3A_269, %dma_wait3A_270] : memref<8x3584xf32, #tpu.memory_space<vmem>> -> memref<8x2560xf32, #tpu.memory_space<vmem>>
      %dma_wait3A_272 = arith.constant 70656 : i32
      %dma_wait3A_273 = tpu.memref_slice %arg3[%mul3A_32, %dma_wait3A_272] : memref<64x100000xf32, #tpu.memory_space<hbm>> -> memref<8x2560xf32, #tpu.memory_space<hbm>>
      %dma_wait3A_274 = arith.constant 70656 : i32
      %dma_wait3A_275 = tpu.memref_slice %arg3[%mul3A_32, %dma_wait3A_274] : memref<64x100000xf32, #tpu.memory_space<hbm>> -> memref<8x2560xf32, #tpu.memory_space<hbm>>
      %dma_wait3A_276 = arith.constant 0 : i32
      %dma_wait3A_277 = arith.constant 0 : i32
      %dma_wait3A_278 = tpu.memref_slice %arg7[%dma_wait3A_276, %dma_wait3A_277] : memref<8x3584xf32, #tpu.memory_space<vmem>> -> memref<8x2560xf32, #tpu.memory_space<vmem>>
      tpu.wait_dma2 semaphore(%arg16 : memref<!tpu.dma_semaphore, #tpu.memory_space<semaphore_mem>>) src(%dma_wait3A_278 : memref<8x2560xf32, #tpu.memory_space<vmem>>) dst(%dma_wait3A_275 : memref<8x2560xf32, #tpu.memory_space<hbm>>)
      %dma_wait3A_279 = arith.constant 0 : i32
      %dma_wait3A_280 = arith.constant 0 : i32
      %dma_wait3A_281 = tpu.memref_slice %arg4[%dma_wait3A_279, %dma_wait3A_280] : memref<8x3584xf32, #tpu.memory_space<vmem>> -> memref<8x1792xf32, #tpu.memory_space<vmem>>
      %dma_wait3A_282 = arith.constant 73216 : i32
      %dma_wait3A_283 = tpu.memref_slice %arg3[%mul3A_32, %dma_wait3A_282] : memref<64x100000xf32, #tpu.memory_space<hbm>> -> memref<8x1792xf32, #tpu.memory_space<hbm>>
      %dma_wait3A_284 = arith.constant 73216 : i32
      %dma_wait3A_285 = tpu.memref_slice %arg3[%mul3A_32, %dma_wait3A_284] : memref<64x100000xf32, #tpu.memory_space<hbm>> -> memref<8x1792xf32, #tpu.memory_space<hbm>>
      %dma_wait3A_286 = arith.constant 0 : i32
      %dma_wait3A_287 = arith.constant 0 : i32
      %dma_wait3A_288 = tpu.memref_slice %arg4[%dma_wait3A_286, %dma_wait3A_287] : memref<8x3584xf32, #tpu.memory_space<vmem>> -> memref<8x1792xf32, #tpu.memory_space<vmem>>
      tpu.wait_dma2 semaphore(%arg13 : memref<!tpu.dma_semaphore, #tpu.memory_space<semaphore_mem>>) src(%dma_wait3A_288 : memref<8x1792xf32, #tpu.memory_space<vmem>>) dst(%dma_wait3A_285 : memref<8x1792xf32, #tpu.memory_space<hbm>>)
    } else {
    }
    %eq3A_46 = arith.constant 3 : i32
    %eq3A_47 = arith.cmpi eq, %select_n3A, %eq3A_46 : i32
    %convert_element_type3A_48 = arith.extui %eq3A_47 : i1 to i32
    %cond3A_49 = arith.constant 0 : i32
    %cond3A_50 = arith.cmpi ne, %convert_element_type3A_48, %cond3A_49 : i32
    scf.if %cond3A_50 {
      %dma_start3A = arith.constant 0 : i32
      %dma_start3A_51 = arith.constant 0 : i32
      %dma_start3A_52 = tpu.memref_slice %arg4[%dma_start3A, %dma_start3A_51] : memref<8x3584xf32, #tpu.memory_space<vmem>> -> memref<8x896xf32, #tpu.memory_space<vmem>>
      %dma_start3A_53 = arith.constant 75008 : i32
      %dma_start3A_54 = tpu.memref_slice %arg2[%mul3A_32, %dma_start3A_53] : memref<64x100000xf32, #tpu.memory_space<hbm>> -> memref<8x896xf32, #tpu.memory_space<hbm>>
      %dma_start3A_55 = arith.constant 0 : i32
      %dma_start3A_56 = arith.constant 0 : i32
      %dma_start3A_57 = tpu.memref_slice %arg4[%dma_start3A_55, %dma_start3A_56] : memref<8x3584xf32, #tpu.memory_space<vmem>> -> memref<8x896xf32, #tpu.memory_space<vmem>>
      %dma_start3A_58 = arith.constant 75008 : i32
      %dma_start3A_59 = tpu.memref_slice %arg2[%mul3A_32, %dma_start3A_58] : memref<64x100000xf32, #tpu.memory_space<hbm>> -> memref<8x896xf32, #tpu.memory_space<hbm>>
      tpu.enqueue_dma source(%dma_start3A_59 : memref<8x896xf32, #tpu.memory_space<hbm>>) target(%dma_start3A_57 : memref<8x896xf32, #tpu.memory_space<vmem>>) target_semaphore(%arg9 : memref<!tpu.dma_semaphore, #tpu.memory_space<semaphore_mem>>)
      %dma_start3A_60 = arith.constant 0 : i32
      %dma_start3A_61 = arith.constant 0 : i32
      %dma_start3A_62 = tpu.memref_slice %arg5[%dma_start3A_60, %dma_start3A_61] : memref<8x3584xf32, #tpu.memory_space<vmem>> -> memref<8x1792xf32, #tpu.memory_space<vmem>>
      %dma_start3A_63 = arith.constant 75904 : i32
      %dma_start3A_64 = tpu.memref_slice %arg2[%mul3A_32, %dma_start3A_63] : memref<64x100000xf32, #tpu.memory_space<hbm>> -> memref<8x1792xf32, #tpu.memory_space<hbm>>
      %dma_start3A_65 = arith.constant 0 : i32
      %dma_start3A_66 = arith.constant 0 : i32
      %dma_start3A_67 = tpu.memref_slice %arg5[%dma_start3A_65, %dma_start3A_66] : memref<8x3584xf32, #tpu.memory_space<vmem>> -> memref<8x1792xf32, #tpu.memory_space<vmem>>
      %dma_start3A_68 = arith.constant 75904 : i32
      %dma_start3A_69 = tpu.memref_slice %arg2[%mul3A_32, %dma_start3A_68] : memref<64x100000xf32, #tpu.memory_space<hbm>> -> memref<8x1792xf32, #tpu.memory_space<hbm>>
      tpu.enqueue_dma source(%dma_start3A_69 : memref<8x1792xf32, #tpu.memory_space<hbm>>) target(%dma_start3A_67 : memref<8x1792xf32, #tpu.memory_space<vmem>>) target_semaphore(%arg10 : memref<!tpu.dma_semaphore, #tpu.memory_space<semaphore_mem>>)
      %dma_start3A_70 = arith.constant 77696 : i32
      %dma_start3A_71 = tpu.memref_slice %arg2[%mul3A_32, %dma_start3A_70] : memref<64x100000xf32, #tpu.memory_space<hbm>> -> memref<8x3584xf32, #tpu.memory_space<hbm>>
      %dma_start3A_72 = arith.constant 77696 : i32
      %dma_start3A_73 = tpu.memref_slice %arg2[%mul3A_32, %dma_start3A_72] : memref<64x100000xf32, #tpu.memory_space<hbm>> -> memref<8x3584xf32, #tpu.memory_space<hbm>>
      tpu.enqueue_dma source(%dma_start3A_73 : memref<8x3584xf32, #tpu.memory_space<hbm>>) target(%arg6 : memref<8x3584xf32, #tpu.memory_space<vmem>>) target_semaphore(%arg11 : memref<!tpu.dma_semaphore, #tpu.memory_space<semaphore_mem>>)
      %dma_start3A_74 = arith.constant 81280 : i32
      %dma_start3A_75 = tpu.memref_slice %arg2[%mul3A_32, %dma_start3A_74] : memref<64x100000xf32, #tpu.memory_space<hbm>> -> memref<8x3584xf32, #tpu.memory_space<hbm>>
      %dma_start3A_76 = arith.constant 81280 : i32
      %dma_start3A_77 = tpu.memref_slice %arg2[%mul3A_32, %dma_start3A_76] : memref<64x100000xf32, #tpu.memory_space<hbm>> -> memref<8x3584xf32, #tpu.memory_space<hbm>>
      tpu.enqueue_dma source(%dma_start3A_77 : memref<8x3584xf32, #tpu.memory_space<hbm>>) target(%arg7 : memref<8x3584xf32, #tpu.memory_space<vmem>>) target_semaphore(%arg12 : memref<!tpu.dma_semaphore, #tpu.memory_space<semaphore_mem>>)
      %dma_wait3A = arith.constant 0 : i32
      %dma_wait3A_78 = arith.constant 0 : i32
      %dma_wait3A_79 = tpu.memref_slice %arg4[%dma_wait3A, %dma_wait3A_78] : memref<8x3584xf32, #tpu.memory_space<vmem>> -> memref<8x896xf32, #tpu.memory_space<vmem>>
      %dma_wait3A_80 = arith.constant 75008 : i32
      %dma_wait3A_81 = tpu.memref_slice %arg2[%mul3A_32, %dma_wait3A_80] : memref<64x100000xf32, #tpu.memory_space<hbm>> -> memref<8x896xf32, #tpu.memory_space<hbm>>
      %dma_wait3A_82 = arith.constant 0 : i32
      %dma_wait3A_83 = arith.constant 0 : i32
      %dma_wait3A_84 = tpu.memref_slice %arg4[%dma_wait3A_82, %dma_wait3A_83] : memref<8x3584xf32, #tpu.memory_space<vmem>> -> memref<8x896xf32, #tpu.memory_space<vmem>>
      %dma_wait3A_85 = arith.constant 75008 : i32
      %dma_wait3A_86 = tpu.memref_slice %arg2[%mul3A_32, %dma_wait3A_85] : memref<64x100000xf32, #tpu.memory_space<hbm>> -> memref<8x896xf32, #tpu.memory_space<hbm>>
      tpu.wait_dma2 semaphore(%arg9 : memref<!tpu.dma_semaphore, #tpu.memory_space<semaphore_mem>>) src(%dma_wait3A_86 : memref<8x896xf32, #tpu.memory_space<hbm>>) dst(%dma_wait3A_84 : memref<8x896xf32, #tpu.memory_space<vmem>>)
      %dma_start3A_87 = arith.constant 0 : i32
      %dma_start3A_88 = arith.constant 0 : i32
      %dma_start3A_89 = tpu.memref_slice %arg4[%dma_start3A_87, %dma_start3A_88] : memref<8x3584xf32, #tpu.memory_space<vmem>> -> memref<8x896xf32, #tpu.memory_space<vmem>>
      %dma_start3A_90 = arith.constant 75008 : i32
      %dma_start3A_91 = tpu.memref_slice %arg3[%mul3A_32, %dma_start3A_90] : memref<64x100000xf32, #tpu.memory_space<hbm>> -> memref<8x896xf32, #tpu.memory_space<hbm>>
      %dma_start3A_92 = arith.constant 75008 : i32
      %dma_start3A_93 = tpu.memref_slice %arg3[%mul3A_32, %dma_start3A_92] : memref<64x100000xf32, #tpu.memory_space<hbm>> -> memref<8x896xf32, #tpu.memory_space<hbm>>
      %dma_start3A_94 = arith.constant 0 : i32
      %dma_start3A_95 = arith.constant 0 : i32
      %dma_start3A_96 = tpu.memref_slice %arg4[%dma_start3A_94, %dma_start3A_95] : memref<8x3584xf32, #tpu.memory_space<vmem>> -> memref<8x896xf32, #tpu.memory_space<vmem>>
      tpu.enqueue_dma source(%dma_start3A_96 : memref<8x896xf32, #tpu.memory_space<vmem>>) target(%dma_start3A_93 : memref<8x896xf32, #tpu.memory_space<hbm>>) target_semaphore(%arg13 : memref<!tpu.dma_semaphore, #tpu.memory_space<semaphore_mem>>)
      %dma_wait3A_97 = arith.constant 0 : i32
      %dma_wait3A_98 = arith.constant 0 : i32
      %dma_wait3A_99 = tpu.memref_slice %arg4[%dma_wait3A_97, %dma_wait3A_98] : memref<8x3584xf32, #tpu.memory_space<vmem>> -> memref<8x896xf32, #tpu.memory_space<vmem>>
      %dma_wait3A_100 = arith.constant 75008 : i32
      %dma_wait3A_101 = tpu.memref_slice %arg3[%mul3A_32, %dma_wait3A_100] : memref<64x100000xf32, #tpu.memory_space<hbm>> -> memref<8x896xf32, #tpu.memory_space<hbm>>
      %dma_wait3A_102 = arith.constant 75008 : i32
      %dma_wait3A_103 = tpu.memref_slice %arg3[%mul3A_32, %dma_wait3A_102] : memref<64x100000xf32, #tpu.memory_space<hbm>> -> memref<8x896xf32, #tpu.memory_space<hbm>>
      %dma_wait3A_104 = arith.constant 0 : i32
      %dma_wait3A_105 = arith.constant 0 : i32
      %dma_wait3A_106 = tpu.memref_slice %arg4[%dma_wait3A_104, %dma_wait3A_105] : memref<8x3584xf32, #tpu.memory_space<vmem>> -> memref<8x896xf32, #tpu.memory_space<vmem>>
      tpu.wait_dma2 semaphore(%arg13 : memref<!tpu.dma_semaphore, #tpu.memory_space<semaphore_mem>>) src(%dma_wait3A_106 : memref<8x896xf32, #tpu.memory_space<vmem>>) dst(%dma_wait3A_103 : memref<8x896xf32, #tpu.memory_space<hbm>>)
      %dma_start3A_107 = arith.constant 84864 : i32
      %dma_start3A_108 = tpu.memref_slice %arg2[%mul3A_32, %dma_start3A_107] : memref<64x100000xf32, #tpu.memory_space<hbm>> -> memref<8x3584xf32, #tpu.memory_space<hbm>>
      %dma_start3A_109 = arith.constant 84864 : i32
      %dma_start3A_110 = tpu.memref_slice %arg2[%mul3A_32, %dma_start3A_109] : memref<64x100000xf32, #tpu.memory_space<hbm>> -> memref<8x3584xf32, #tpu.memory_space<hbm>>
      tpu.enqueue_dma source(%dma_start3A_110 : memref<8x3584xf32, #tpu.memory_space<hbm>>) target(%arg4 : memref<8x3584xf32, #tpu.memory_space<vmem>>) target_semaphore(%arg9 : memref<!tpu.dma_semaphore, #tpu.memory_space<semaphore_mem>>)
      %dma_wait3A_111 = arith.constant 0 : i32
      %dma_wait3A_112 = arith.constant 0 : i32
      %dma_wait3A_113 = tpu.memref_slice %arg5[%dma_wait3A_111, %dma_wait3A_112] : memref<8x3584xf32, #tpu.memory_space<vmem>> -> memref<8x1792xf32, #tpu.memory_space<vmem>>
      %dma_wait3A_114 = arith.constant 75904 : i32
      %dma_wait3A_115 = tpu.memref_slice %arg2[%mul3A_32, %dma_wait3A_114] : memref<64x100000xf32, #tpu.memory_space<hbm>> -> memref<8x1792xf32, #tpu.memory_space<hbm>>
      %dma_wait3A_116 = arith.constant 0 : i32
      %dma_wait3A_117 = arith.constant 0 : i32
      %dma_wait3A_118 = tpu.memref_slice %arg5[%dma_wait3A_116, %dma_wait3A_117] : memref<8x3584xf32, #tpu.memory_space<vmem>> -> memref<8x1792xf32, #tpu.memory_space<vmem>>
      %dma_wait3A_119 = arith.constant 75904 : i32
      %dma_wait3A_120 = tpu.memref_slice %arg2[%mul3A_32, %dma_wait3A_119] : memref<64x100000xf32, #tpu.memory_space<hbm>> -> memref<8x1792xf32, #tpu.memory_space<hbm>>
      tpu.wait_dma2 semaphore(%arg10 : memref<!tpu.dma_semaphore, #tpu.memory_space<semaphore_mem>>) src(%dma_wait3A_120 : memref<8x1792xf32, #tpu.memory_space<hbm>>) dst(%dma_wait3A_118 : memref<8x1792xf32, #tpu.memory_space<vmem>>)
      %dma_start3A_121 = arith.constant 0 : i32
      %dma_start3A_122 = arith.constant 0 : i32
      %dma_start3A_123 = tpu.memref_slice %arg5[%dma_start3A_121, %dma_start3A_122] : memref<8x3584xf32, #tpu.memory_space<vmem>> -> memref<8x1792xf32, #tpu.memory_space<vmem>>
      %dma_start3A_124 = arith.constant 75904 : i32
      %dma_start3A_125 = tpu.memref_slice %arg3[%mul3A_32, %dma_start3A_124] : memref<64x100000xf32, #tpu.memory_space<hbm>> -> memref<8x1792xf32, #tpu.memory_space<hbm>>
      %dma_start3A_126 = arith.constant 75904 : i32
      %dma_start3A_127 = tpu.memref_slice %arg3[%mul3A_32, %dma_start3A_126] : memref<64x100000xf32, #tpu.memory_space<hbm>> -> memref<8x1792xf32, #tpu.memory_space<hbm>>
      %dma_start3A_128 = arith.constant 0 : i32
      %dma_start3A_129 = arith.constant 0 : i32
      %dma_start3A_130 = tpu.memref_slice %arg5[%dma_start3A_128, %dma_start3A_129] : memref<8x3584xf32, #tpu.memory_space<vmem>> -> memref<8x1792xf32, #tpu.memory_space<vmem>>
      tpu.enqueue_dma source(%dma_start3A_130 : memref<8x1792xf32, #tpu.memory_space<vmem>>) target(%dma_start3A_127 : memref<8x1792xf32, #tpu.memory_space<hbm>>) target_semaphore(%arg14 : memref<!tpu.dma_semaphore, #tpu.memory_space<semaphore_mem>>)
      %dma_wait3A_131 = arith.constant 0 : i32
      %dma_wait3A_132 = arith.constant 0 : i32
      %dma_wait3A_133 = tpu.memref_slice %arg5[%dma_wait3A_131, %dma_wait3A_132] : memref<8x3584xf32, #tpu.memory_space<vmem>> -> memref<8x1792xf32, #tpu.memory_space<vmem>>
      %dma_wait3A_134 = arith.constant 75904 : i32
      %dma_wait3A_135 = tpu.memref_slice %arg3[%mul3A_32, %dma_wait3A_134] : memref<64x100000xf32, #tpu.memory_space<hbm>> -> memref<8x1792xf32, #tpu.memory_space<hbm>>
      %dma_wait3A_136 = arith.constant 75904 : i32
      %dma_wait3A_137 = tpu.memref_slice %arg3[%mul3A_32, %dma_wait3A_136] : memref<64x100000xf32, #tpu.memory_space<hbm>> -> memref<8x1792xf32, #tpu.memory_space<hbm>>
      %dma_wait3A_138 = arith.constant 0 : i32
      %dma_wait3A_139 = arith.constant 0 : i32
      %dma_wait3A_140 = tpu.memref_slice %arg5[%dma_wait3A_138, %dma_wait3A_139] : memref<8x3584xf32, #tpu.memory_space<vmem>> -> memref<8x1792xf32, #tpu.memory_space<vmem>>
      tpu.wait_dma2 semaphore(%arg14 : memref<!tpu.dma_semaphore, #tpu.memory_space<semaphore_mem>>) src(%dma_wait3A_140 : memref<8x1792xf32, #tpu.memory_space<vmem>>) dst(%dma_wait3A_137 : memref<8x1792xf32, #tpu.memory_space<hbm>>)
      %dma_start3A_141 = arith.constant 88448 : i32
      %dma_start3A_142 = tpu.memref_slice %arg2[%mul3A_32, %dma_start3A_141] : memref<64x100000xf32, #tpu.memory_space<hbm>> -> memref<8x3584xf32, #tpu.memory_space<hbm>>
      %dma_start3A_143 = arith.constant 88448 : i32
      %dma_start3A_144 = tpu.memref_slice %arg2[%mul3A_32, %dma_start3A_143] : memref<64x100000xf32, #tpu.memory_space<hbm>> -> memref<8x3584xf32, #tpu.memory_space<hbm>>
      tpu.enqueue_dma source(%dma_start3A_144 : memref<8x3584xf32, #tpu.memory_space<hbm>>) target(%arg5 : memref<8x3584xf32, #tpu.memory_space<vmem>>) target_semaphore(%arg10 : memref<!tpu.dma_semaphore, #tpu.memory_space<semaphore_mem>>)
      %dma_wait3A_145 = arith.constant 77696 : i32
      %dma_wait3A_146 = tpu.memref_slice %arg2[%mul3A_32, %dma_wait3A_145] : memref<64x100000xf32, #tpu.memory_space<hbm>> -> memref<8x3584xf32, #tpu.memory_space<hbm>>
      %dma_wait3A_147 = arith.constant 77696 : i32
      %dma_wait3A_148 = tpu.memref_slice %arg2[%mul3A_32, %dma_wait3A_147] : memref<64x100000xf32, #tpu.memory_space<hbm>> -> memref<8x3584xf32, #tpu.memory_space<hbm>>
      tpu.wait_dma2 semaphore(%arg11 : memref<!tpu.dma_semaphore, #tpu.memory_space<semaphore_mem>>) src(%dma_wait3A_148 : memref<8x3584xf32, #tpu.memory_space<hbm>>) dst(%arg6 : memref<8x3584xf32, #tpu.memory_space<vmem>>)
      %dma_start3A_149 = arith.constant 77696 : i32
      %dma_start3A_150 = tpu.memref_slice %arg3[%mul3A_32, %dma_start3A_149] : memref<64x100000xf32, #tpu.memory_space<hbm>> -> memref<8x3584xf32, #tpu.memory_space<hbm>>
      %dma_start3A_151 = arith.constant 77696 : i32
      %dma_start3A_152 = tpu.memref_slice %arg3[%mul3A_32, %dma_start3A_151] : memref<64x100000xf32, #tpu.memory_space<hbm>> -> memref<8x3584xf32, #tpu.memory_space<hbm>>
      tpu.enqueue_dma source(%arg6 : memref<8x3584xf32, #tpu.memory_space<vmem>>) target(%dma_start3A_152 : memref<8x3584xf32, #tpu.memory_space<hbm>>) target_semaphore(%arg15 : memref<!tpu.dma_semaphore, #tpu.memory_space<semaphore_mem>>)
      %dma_wait3A_153 = arith.constant 77696 : i32
      %dma_wait3A_154 = tpu.memref_slice %arg3[%mul3A_32, %dma_wait3A_153] : memref<64x100000xf32, #tpu.memory_space<hbm>> -> memref<8x3584xf32, #tpu.memory_space<hbm>>
      %dma_wait3A_155 = arith.constant 77696 : i32
      %dma_wait3A_156 = tpu.memref_slice %arg3[%mul3A_32, %dma_wait3A_155] : memref<64x100000xf32, #tpu.memory_space<hbm>> -> memref<8x3584xf32, #tpu.memory_space<hbm>>
      tpu.wait_dma2 semaphore(%arg15 : memref<!tpu.dma_semaphore, #tpu.memory_space<semaphore_mem>>) src(%arg6 : memref<8x3584xf32, #tpu.memory_space<vmem>>) dst(%dma_wait3A_156 : memref<8x3584xf32, #tpu.memory_space<hbm>>)
      %dma_start3A_157 = arith.constant 92032 : i32
      %dma_start3A_158 = tpu.memref_slice %arg2[%mul3A_32, %dma_start3A_157] : memref<64x100000xf32, #tpu.memory_space<hbm>> -> memref<8x3584xf32, #tpu.memory_space<hbm>>
      %dma_start3A_159 = arith.constant 92032 : i32
      %dma_start3A_160 = tpu.memref_slice %arg2[%mul3A_32, %dma_start3A_159] : memref<64x100000xf32, #tpu.memory_space<hbm>> -> memref<8x3584xf32, #tpu.memory_space<hbm>>
      tpu.enqueue_dma source(%dma_start3A_160 : memref<8x3584xf32, #tpu.memory_space<hbm>>) target(%arg6 : memref<8x3584xf32, #tpu.memory_space<vmem>>) target_semaphore(%arg11 : memref<!tpu.dma_semaphore, #tpu.memory_space<semaphore_mem>>)
      %dma_wait3A_161 = arith.constant 81280 : i32
      %dma_wait3A_162 = tpu.memref_slice %arg2[%mul3A_32, %dma_wait3A_161] : memref<64x100000xf32, #tpu.memory_space<hbm>> -> memref<8x3584xf32, #tpu.memory_space<hbm>>
      %dma_wait3A_163 = arith.constant 81280 : i32
      %dma_wait3A_164 = tpu.memref_slice %arg2[%mul3A_32, %dma_wait3A_163] : memref<64x100000xf32, #tpu.memory_space<hbm>> -> memref<8x3584xf32, #tpu.memory_space<hbm>>
      tpu.wait_dma2 semaphore(%arg12 : memref<!tpu.dma_semaphore, #tpu.memory_space<semaphore_mem>>) src(%dma_wait3A_164 : memref<8x3584xf32, #tpu.memory_space<hbm>>) dst(%arg7 : memref<8x3584xf32, #tpu.memory_space<vmem>>)
      %dma_start3A_165 = arith.constant 81280 : i32
      %dma_start3A_166 = tpu.memref_slice %arg3[%mul3A_32, %dma_start3A_165] : memref<64x100000xf32, #tpu.memory_space<hbm>> -> memref<8x3584xf32, #tpu.memory_space<hbm>>
      %dma_start3A_167 = arith.constant 81280 : i32
      %dma_start3A_168 = tpu.memref_slice %arg3[%mul3A_32, %dma_start3A_167] : memref<64x100000xf32, #tpu.memory_space<hbm>> -> memref<8x3584xf32, #tpu.memory_space<hbm>>
      tpu.enqueue_dma source(%arg7 : memref<8x3584xf32, #tpu.memory_space<vmem>>) target(%dma_start3A_168 : memref<8x3584xf32, #tpu.memory_space<hbm>>) target_semaphore(%arg16 : memref<!tpu.dma_semaphore, #tpu.memory_space<semaphore_mem>>)
      %dma_wait3A_169 = arith.constant 81280 : i32
      %dma_wait3A_170 = tpu.memref_slice %arg3[%mul3A_32, %dma_wait3A_169] : memref<64x100000xf32, #tpu.memory_space<hbm>> -> memref<8x3584xf32, #tpu.memory_space<hbm>>
      %dma_wait3A_171 = arith.constant 81280 : i32
      %dma_wait3A_172 = tpu.memref_slice %arg3[%mul3A_32, %dma_wait3A_171] : memref<64x100000xf32, #tpu.memory_space<hbm>> -> memref<8x3584xf32, #tpu.memory_space<hbm>>
      tpu.wait_dma2 semaphore(%arg16 : memref<!tpu.dma_semaphore, #tpu.memory_space<semaphore_mem>>) src(%arg7 : memref<8x3584xf32, #tpu.memory_space<vmem>>) dst(%dma_wait3A_172 : memref<8x3584xf32, #tpu.memory_space<hbm>>)
      %dma_start3A_173 = arith.constant 0 : i32
      %dma_start3A_174 = arith.constant 0 : i32
      %dma_start3A_175 = tpu.memref_slice %arg7[%dma_start3A_173, %dma_start3A_174] : memref<8x3584xf32, #tpu.memory_space<vmem>> -> memref<8x2560xf32, #tpu.memory_space<vmem>>
      %dma_start3A_176 = arith.constant 95616 : i32
      %dma_start3A_177 = tpu.memref_slice %arg2[%mul3A_32, %dma_start3A_176] : memref<64x100000xf32, #tpu.memory_space<hbm>> -> memref<8x2560xf32, #tpu.memory_space<hbm>>
      %dma_start3A_178 = arith.constant 0 : i32
      %dma_start3A_179 = arith.constant 0 : i32
      %dma_start3A_180 = tpu.memref_slice %arg7[%dma_start3A_178, %dma_start3A_179] : memref<8x3584xf32, #tpu.memory_space<vmem>> -> memref<8x2560xf32, #tpu.memory_space<vmem>>
      %dma_start3A_181 = arith.constant 95616 : i32
      %dma_start3A_182 = tpu.memref_slice %arg2[%mul3A_32, %dma_start3A_181] : memref<64x100000xf32, #tpu.memory_space<hbm>> -> memref<8x2560xf32, #tpu.memory_space<hbm>>
      tpu.enqueue_dma source(%dma_start3A_182 : memref<8x2560xf32, #tpu.memory_space<hbm>>) target(%dma_start3A_180 : memref<8x2560xf32, #tpu.memory_space<vmem>>) target_semaphore(%arg12 : memref<!tpu.dma_semaphore, #tpu.memory_space<semaphore_mem>>)
      %dma_wait3A_183 = arith.constant 84864 : i32
      %dma_wait3A_184 = tpu.memref_slice %arg2[%mul3A_32, %dma_wait3A_183] : memref<64x100000xf32, #tpu.memory_space<hbm>> -> memref<8x3584xf32, #tpu.memory_space<hbm>>
      %dma_wait3A_185 = arith.constant 84864 : i32
      %dma_wait3A_186 = tpu.memref_slice %arg2[%mul3A_32, %dma_wait3A_185] : memref<64x100000xf32, #tpu.memory_space<hbm>> -> memref<8x3584xf32, #tpu.memory_space<hbm>>
      tpu.wait_dma2 semaphore(%arg9 : memref<!tpu.dma_semaphore, #tpu.memory_space<semaphore_mem>>) src(%dma_wait3A_186 : memref<8x3584xf32, #tpu.memory_space<hbm>>) dst(%arg4 : memref<8x3584xf32, #tpu.memory_space<vmem>>)
      %dma_start3A_187 = arith.constant 84864 : i32
      %dma_start3A_188 = tpu.memref_slice %arg3[%mul3A_32, %dma_start3A_187] : memref<64x100000xf32, #tpu.memory_space<hbm>> -> memref<8x3584xf32, #tpu.memory_space<hbm>>
      %dma_start3A_189 = arith.constant 84864 : i32
      %dma_start3A_190 = tpu.memref_slice %arg3[%mul3A_32, %dma_start3A_189] : memref<64x100000xf32, #tpu.memory_space<hbm>> -> memref<8x3584xf32, #tpu.memory_space<hbm>>
      tpu.enqueue_dma source(%arg4 : memref<8x3584xf32, #tpu.memory_space<vmem>>) target(%dma_start3A_190 : memref<8x3584xf32, #tpu.memory_space<hbm>>) target_semaphore(%arg13 : memref<!tpu.dma_semaphore, #tpu.memory_space<semaphore_mem>>)
      %dma_wait3A_191 = arith.constant 84864 : i32
      %dma_wait3A_192 = tpu.memref_slice %arg3[%mul3A_32, %dma_wait3A_191] : memref<64x100000xf32, #tpu.memory_space<hbm>> -> memref<8x3584xf32, #tpu.memory_space<hbm>>
      %dma_wait3A_193 = arith.constant 84864 : i32
      %dma_wait3A_194 = tpu.memref_slice %arg3[%mul3A_32, %dma_wait3A_193] : memref<64x100000xf32, #tpu.memory_space<hbm>> -> memref<8x3584xf32, #tpu.memory_space<hbm>>
      tpu.wait_dma2 semaphore(%arg13 : memref<!tpu.dma_semaphore, #tpu.memory_space<semaphore_mem>>) src(%arg4 : memref<8x3584xf32, #tpu.memory_space<vmem>>) dst(%dma_wait3A_194 : memref<8x3584xf32, #tpu.memory_space<hbm>>)
      %dma_start3A_195 = arith.constant 0 : i32
      %dma_start3A_196 = arith.constant 0 : i32
      %dma_start3A_197 = tpu.memref_slice %arg4[%dma_start3A_195, %dma_start3A_196] : memref<8x3584xf32, #tpu.memory_space<vmem>> -> memref<8x1792xf32, #tpu.memory_space<vmem>>
      %dma_start3A_198 = arith.constant 98176 : i32
      %dma_start3A_199 = tpu.memref_slice %arg2[%mul3A_32, %dma_start3A_198] : memref<64x100000xf32, #tpu.memory_space<hbm>> -> memref<8x1792xf32, #tpu.memory_space<hbm>>
      %dma_start3A_200 = arith.constant 0 : i32
      %dma_start3A_201 = arith.constant 0 : i32
      %dma_start3A_202 = tpu.memref_slice %arg4[%dma_start3A_200, %dma_start3A_201] : memref<8x3584xf32, #tpu.memory_space<vmem>> -> memref<8x1792xf32, #tpu.memory_space<vmem>>
      %dma_start3A_203 = arith.constant 98176 : i32
      %dma_start3A_204 = tpu.memref_slice %arg2[%mul3A_32, %dma_start3A_203] : memref<64x100000xf32, #tpu.memory_space<hbm>> -> memref<8x1792xf32, #tpu.memory_space<hbm>>
      tpu.enqueue_dma source(%dma_start3A_204 : memref<8x1792xf32, #tpu.memory_space<hbm>>) target(%dma_start3A_202 : memref<8x1792xf32, #tpu.memory_space<vmem>>) target_semaphore(%arg9 : memref<!tpu.dma_semaphore, #tpu.memory_space<semaphore_mem>>)
      %dma_wait3A_205 = arith.constant 88448 : i32
      %dma_wait3A_206 = tpu.memref_slice %arg2[%mul3A_32, %dma_wait3A_205] : memref<64x100000xf32, #tpu.memory_space<hbm>> -> memref<8x3584xf32, #tpu.memory_space<hbm>>
      %dma_wait3A_207 = arith.constant 88448 : i32
      %dma_wait3A_208 = tpu.memref_slice %arg2[%mul3A_32, %dma_wait3A_207] : memref<64x100000xf32, #tpu.memory_space<hbm>> -> memref<8x3584xf32, #tpu.memory_space<hbm>>
      tpu.wait_dma2 semaphore(%arg10 : memref<!tpu.dma_semaphore, #tpu.memory_space<semaphore_mem>>) src(%dma_wait3A_208 : memref<8x3584xf32, #tpu.memory_space<hbm>>) dst(%arg5 : memref<8x3584xf32, #tpu.memory_space<vmem>>)
      %dma_start3A_209 = arith.constant 88448 : i32
      %dma_start3A_210 = tpu.memref_slice %arg3[%mul3A_32, %dma_start3A_209] : memref<64x100000xf32, #tpu.memory_space<hbm>> -> memref<8x3584xf32, #tpu.memory_space<hbm>>
      %dma_start3A_211 = arith.constant 88448 : i32
      %dma_start3A_212 = tpu.memref_slice %arg3[%mul3A_32, %dma_start3A_211] : memref<64x100000xf32, #tpu.memory_space<hbm>> -> memref<8x3584xf32, #tpu.memory_space<hbm>>
      tpu.enqueue_dma source(%arg5 : memref<8x3584xf32, #tpu.memory_space<vmem>>) target(%dma_start3A_212 : memref<8x3584xf32, #tpu.memory_space<hbm>>) target_semaphore(%arg14 : memref<!tpu.dma_semaphore, #tpu.memory_space<semaphore_mem>>)
      %dma_wait3A_213 = arith.constant 92032 : i32
      %dma_wait3A_214 = tpu.memref_slice %arg2[%mul3A_32, %dma_wait3A_213] : memref<64x100000xf32, #tpu.memory_space<hbm>> -> memref<8x3584xf32, #tpu.memory_space<hbm>>
      %dma_wait3A_215 = arith.constant 92032 : i32
      %dma_wait3A_216 = tpu.memref_slice %arg2[%mul3A_32, %dma_wait3A_215] : memref<64x100000xf32, #tpu.memory_space<hbm>> -> memref<8x3584xf32, #tpu.memory_space<hbm>>
      tpu.wait_dma2 semaphore(%arg11 : memref<!tpu.dma_semaphore, #tpu.memory_space<semaphore_mem>>) src(%dma_wait3A_216 : memref<8x3584xf32, #tpu.memory_space<hbm>>) dst(%arg6 : memref<8x3584xf32, #tpu.memory_space<vmem>>)
      %dma_start3A_217 = arith.constant 92032 : i32
      %dma_start3A_218 = tpu.memref_slice %arg3[%mul3A_32, %dma_start3A_217] : memref<64x100000xf32, #tpu.memory_space<hbm>> -> memref<8x3584xf32, #tpu.memory_space<hbm>>
      %dma_start3A_219 = arith.constant 92032 : i32
      %dma_start3A_220 = tpu.memref_slice %arg3[%mul3A_32, %dma_start3A_219] : memref<64x100000xf32, #tpu.memory_space<hbm>> -> memref<8x3584xf32, #tpu.memory_space<hbm>>
      tpu.enqueue_dma source(%arg6 : memref<8x3584xf32, #tpu.memory_space<vmem>>) target(%dma_start3A_220 : memref<8x3584xf32, #tpu.memory_space<hbm>>) target_semaphore(%arg15 : memref<!tpu.dma_semaphore, #tpu.memory_space<semaphore_mem>>)
      %dma_wait3A_221 = arith.constant 0 : i32
      %dma_wait3A_222 = arith.constant 0 : i32
      %dma_wait3A_223 = tpu.memref_slice %arg7[%dma_wait3A_221, %dma_wait3A_222] : memref<8x3584xf32, #tpu.memory_space<vmem>> -> memref<8x2560xf32, #tpu.memory_space<vmem>>
      %dma_wait3A_224 = arith.constant 95616 : i32
      %dma_wait3A_225 = tpu.memref_slice %arg2[%mul3A_32, %dma_wait3A_224] : memref<64x100000xf32, #tpu.memory_space<hbm>> -> memref<8x2560xf32, #tpu.memory_space<hbm>>
      %dma_wait3A_226 = arith.constant 0 : i32
      %dma_wait3A_227 = arith.constant 0 : i32
      %dma_wait3A_228 = tpu.memref_slice %arg7[%dma_wait3A_226, %dma_wait3A_227] : memref<8x3584xf32, #tpu.memory_space<vmem>> -> memref<8x2560xf32, #tpu.memory_space<vmem>>
      %dma_wait3A_229 = arith.constant 95616 : i32
      %dma_wait3A_230 = tpu.memref_slice %arg2[%mul3A_32, %dma_wait3A_229] : memref<64x100000xf32, #tpu.memory_space<hbm>> -> memref<8x2560xf32, #tpu.memory_space<hbm>>
      tpu.wait_dma2 semaphore(%arg12 : memref<!tpu.dma_semaphore, #tpu.memory_space<semaphore_mem>>) src(%dma_wait3A_230 : memref<8x2560xf32, #tpu.memory_space<hbm>>) dst(%dma_wait3A_228 : memref<8x2560xf32, #tpu.memory_space<vmem>>)
      %dma_start3A_231 = arith.constant 0 : i32
      %dma_start3A_232 = arith.constant 0 : i32
      %dma_start3A_233 = tpu.memref_slice %arg7[%dma_start3A_231, %dma_start3A_232] : memref<8x3584xf32, #tpu.memory_space<vmem>> -> memref<8x2560xf32, #tpu.memory_space<vmem>>
      %dma_start3A_234 = arith.constant 95616 : i32
      %dma_start3A_235 = tpu.memref_slice %arg3[%mul3A_32, %dma_start3A_234] : memref<64x100000xf32, #tpu.memory_space<hbm>> -> memref<8x2560xf32, #tpu.memory_space<hbm>>
      %dma_start3A_236 = arith.constant 95616 : i32
      %dma_start3A_237 = tpu.memref_slice %arg3[%mul3A_32, %dma_start3A_236] : memref<64x100000xf32, #tpu.memory_space<hbm>> -> memref<8x2560xf32, #tpu.memory_space<hbm>>
      %dma_start3A_238 = arith.constant 0 : i32
      %dma_start3A_239 = arith.constant 0 : i32
      %dma_start3A_240 = tpu.memref_slice %arg7[%dma_start3A_238, %dma_start3A_239] : memref<8x3584xf32, #tpu.memory_space<vmem>> -> memref<8x2560xf32, #tpu.memory_space<vmem>>
      tpu.enqueue_dma source(%dma_start3A_240 : memref<8x2560xf32, #tpu.memory_space<vmem>>) target(%dma_start3A_237 : memref<8x2560xf32, #tpu.memory_space<hbm>>) target_semaphore(%arg16 : memref<!tpu.dma_semaphore, #tpu.memory_space<semaphore_mem>>)
      %dma_wait3A_241 = arith.constant 0 : i32
      %dma_wait3A_242 = arith.constant 0 : i32
      %dma_wait3A_243 = tpu.memref_slice %arg4[%dma_wait3A_241, %dma_wait3A_242] : memref<8x3584xf32, #tpu.memory_space<vmem>> -> memref<8x1792xf32, #tpu.memory_space<vmem>>
      %dma_wait3A_244 = arith.constant 98176 : i32
      %dma_wait3A_245 = tpu.memref_slice %arg2[%mul3A_32, %dma_wait3A_244] : memref<64x100000xf32, #tpu.memory_space<hbm>> -> memref<8x1792xf32, #tpu.memory_space<hbm>>
      %dma_wait3A_246 = arith.constant 0 : i32
      %dma_wait3A_247 = arith.constant 0 : i32
      %dma_wait3A_248 = tpu.memref_slice %arg4[%dma_wait3A_246, %dma_wait3A_247] : memref<8x3584xf32, #tpu.memory_space<vmem>> -> memref<8x1792xf32, #tpu.memory_space<vmem>>
      %dma_wait3A_249 = arith.constant 98176 : i32
      %dma_wait3A_250 = tpu.memref_slice %arg2[%mul3A_32, %dma_wait3A_249] : memref<64x100000xf32, #tpu.memory_space<hbm>> -> memref<8x1792xf32, #tpu.memory_space<hbm>>
      tpu.wait_dma2 semaphore(%arg9 : memref<!tpu.dma_semaphore, #tpu.memory_space<semaphore_mem>>) src(%dma_wait3A_250 : memref<8x1792xf32, #tpu.memory_space<hbm>>) dst(%dma_wait3A_248 : memref<8x1792xf32, #tpu.memory_space<vmem>>)
      %dma_start3A_251 = arith.constant 0 : i32
      %dma_start3A_252 = arith.constant 0 : i32
      %dma_start3A_253 = tpu.memref_slice %arg4[%dma_start3A_251, %dma_start3A_252] : memref<8x3584xf32, #tpu.memory_space<vmem>> -> memref<8x1792xf32, #tpu.memory_space<vmem>>
      %dma_start3A_254 = arith.constant 98176 : i32
      %dma_start3A_255 = tpu.memref_slice %arg3[%mul3A_32, %dma_start3A_254] : memref<64x100000xf32, #tpu.memory_space<hbm>> -> memref<8x1792xf32, #tpu.memory_space<hbm>>
      %dma_start3A_256 = arith.constant 98176 : i32
      %dma_start3A_257 = tpu.memref_slice %arg3[%mul3A_32, %dma_start3A_256] : memref<64x100000xf32, #tpu.memory_space<hbm>> -> memref<8x1792xf32, #tpu.memory_space<hbm>>
      %dma_start3A_258 = arith.constant 0 : i32
      %dma_start3A_259 = arith.constant 0 : i32
      %dma_start3A_260 = tpu.memref_slice %arg4[%dma_start3A_258, %dma_start3A_259] : memref<8x3584xf32, #tpu.memory_space<vmem>> -> memref<8x1792xf32, #tpu.memory_space<vmem>>
      tpu.enqueue_dma source(%dma_start3A_260 : memref<8x1792xf32, #tpu.memory_space<vmem>>) target(%dma_start3A_257 : memref<8x1792xf32, #tpu.memory_space<hbm>>) target_semaphore(%arg13 : memref<!tpu.dma_semaphore, #tpu.memory_space<semaphore_mem>>)
      %dma_wait3A_261 = arith.constant 88448 : i32
      %dma_wait3A_262 = tpu.memref_slice %arg3[%mul3A_32, %dma_wait3A_261] : memref<64x100000xf32, #tpu.memory_space<hbm>> -> memref<8x3584xf32, #tpu.memory_space<hbm>>
      %dma_wait3A_263 = arith.constant 88448 : i32
      %dma_wait3A_264 = tpu.memref_slice %arg3[%mul3A_32, %dma_wait3A_263] : memref<64x100000xf32, #tpu.memory_space<hbm>> -> memref<8x3584xf32, #tpu.memory_space<hbm>>
      tpu.wait_dma2 semaphore(%arg14 : memref<!tpu.dma_semaphore, #tpu.memory_space<semaphore_mem>>) src(%arg5 : memref<8x3584xf32, #tpu.memory_space<vmem>>) dst(%dma_wait3A_264 : memref<8x3584xf32, #tpu.memory_space<hbm>>)
      %dma_wait3A_265 = arith.constant 92032 : i32
      %dma_wait3A_266 = tpu.memref_slice %arg3[%mul3A_32, %dma_wait3A_265] : memref<64x100000xf32, #tpu.memory_space<hbm>> -> memref<8x3584xf32, #tpu.memory_space<hbm>>
      %dma_wait3A_267 = arith.constant 92032 : i32
      %dma_wait3A_268 = tpu.memref_slice %arg3[%mul3A_32, %dma_wait3A_267] : memref<64x100000xf32, #tpu.memory_space<hbm>> -> memref<8x3584xf32, #tpu.memory_space<hbm>>
      tpu.wait_dma2 semaphore(%arg15 : memref<!tpu.dma_semaphore, #tpu.memory_space<semaphore_mem>>) src(%arg6 : memref<8x3584xf32, #tpu.memory_space<vmem>>) dst(%dma_wait3A_268 : memref<8x3584xf32, #tpu.memory_space<hbm>>)
      %dma_wait3A_269 = arith.constant 0 : i32
      %dma_wait3A_270 = arith.constant 0 : i32
      %dma_wait3A_271 = tpu.memref_slice %arg7[%dma_wait3A_269, %dma_wait3A_270] : memref<8x3584xf32, #tpu.memory_space<vmem>> -> memref<8x2560xf32, #tpu.memory_space<vmem>>
      %dma_wait3A_272 = arith.constant 95616 : i32
      %dma_wait3A_273 = tpu.memref_slice %arg3[%mul3A_32, %dma_wait3A_272] : memref<64x100000xf32, #tpu.memory_space<hbm>> -> memref<8x2560xf32, #tpu.memory_space<hbm>>
      %dma_wait3A_274 = arith.constant 95616 : i32
      %dma_wait3A_275 = tpu.memref_slice %arg3[%mul3A_32, %dma_wait3A_274] : memref<64x100000xf32, #tpu.memory_space<hbm>> -> memref<8x2560xf32, #tpu.memory_space<hbm>>
      %dma_wait3A_276 = arith.constant 0 : i32
      %dma_wait3A_277 = arith.constant 0 : i32
      %dma_wait3A_278 = tpu.memref_slice %arg7[%dma_wait3A_276, %dma_wait3A_277] : memref<8x3584xf32, #tpu.memory_space<vmem>> -> memref<8x2560xf32, #tpu.memory_space<vmem>>
      tpu.wait_dma2 semaphore(%arg16 : memref<!tpu.dma_semaphore, #tpu.memory_space<semaphore_mem>>) src(%dma_wait3A_278 : memref<8x2560xf32, #tpu.memory_space<vmem>>) dst(%dma_wait3A_275 : memref<8x2560xf32, #tpu.memory_space<hbm>>)
      %dma_wait3A_279 = arith.constant 0 : i32
      %dma_wait3A_280 = arith.constant 0 : i32
      %dma_wait3A_281 = tpu.memref_slice %arg4[%dma_wait3A_279, %dma_wait3A_280] : memref<8x3584xf32, #tpu.memory_space<vmem>> -> memref<8x1792xf32, #tpu.memory_space<vmem>>
      %dma_wait3A_282 = arith.constant 98176 : i32
      %dma_wait3A_283 = tpu.memref_slice %arg3[%mul3A_32, %dma_wait3A_282] : memref<64x100000xf32, #tpu.memory_space<hbm>> -> memref<8x1792xf32, #tpu.memory_space<hbm>>
      %dma_wait3A_284 = arith.constant 98176 : i32
      %dma_wait3A_285 = tpu.memref_slice %arg3[%mul3A_32, %dma_wait3A_284] : memref<64x100000xf32, #tpu.memory_space<hbm>> -> memref<8x1792xf32, #tpu.memory_space<hbm>>
      %dma_wait3A_286 = arith.constant 0 : i32
      %dma_wait3A_287 = arith.constant 0 : i32
      %dma_wait3A_288 = tpu.memref_slice %arg4[%dma_wait3A_286, %dma_wait3A_287] : memref<8x3584xf32, #tpu.memory_space<vmem>> -> memref<8x1792xf32, #tpu.memory_space<vmem>>
      tpu.wait_dma2 semaphore(%arg13 : memref<!tpu.dma_semaphore, #tpu.memory_space<semaphore_mem>>) src(%dma_wait3A_288 : memref<8x1792xf32, #tpu.memory_space<vmem>>) dst(%dma_wait3A_285 : memref<8x1792xf32, #tpu.memory_space<hbm>>)
      %dma_start3A_289 = arith.constant 99968 : i32
      %dma_start3A_290 = tpu.memref_slice %arg2[%mul3A_32, %dma_start3A_289] : memref<64x100000xf32, #tpu.memory_space<hbm>> -> memref<8x32xf32, #tpu.memory_space<hbm>>
      %dma_start3A_291 = arith.constant 99968 : i32
      %dma_start3A_292 = tpu.memref_slice %arg2[%mul3A_32, %dma_start3A_291] : memref<64x100000xf32, #tpu.memory_space<hbm>> -> memref<8x32xf32, #tpu.memory_space<hbm>>
      tpu.enqueue_dma source(%dma_start3A_292 : memref<8x32xf32, #tpu.memory_space<hbm>>) target(%arg8 : memref<8x32xf32, #tpu.memory_space<vmem>>) target_semaphore(%arg9 : memref<!tpu.dma_semaphore, #tpu.memory_space<semaphore_mem>>)
      %dma_wait3A_293 = arith.constant 99968 : i32
      %dma_wait3A_294 = tpu.memref_slice %arg2[%mul3A_32, %dma_wait3A_293] : memref<64x100000xf32, #tpu.memory_space<hbm>> -> memref<8x32xf32, #tpu.memory_space<hbm>>
      %dma_wait3A_295 = arith.constant 99968 : i32
      %dma_wait3A_296 = tpu.memref_slice %arg2[%mul3A_32, %dma_wait3A_295] : memref<64x100000xf32, #tpu.memory_space<hbm>> -> memref<8x32xf32, #tpu.memory_space<hbm>>
      tpu.wait_dma2 semaphore(%arg9 : memref<!tpu.dma_semaphore, #tpu.memory_space<semaphore_mem>>) src(%dma_wait3A_296 : memref<8x32xf32, #tpu.memory_space<hbm>>) dst(%arg8 : memref<8x32xf32, #tpu.memory_space<vmem>>)
      %dma_start3A_297 = arith.constant 99968 : i32
      %dma_start3A_298 = tpu.memref_slice %arg3[%mul3A_32, %dma_start3A_297] : memref<64x100000xf32, #tpu.memory_space<hbm>> -> memref<8x32xf32, #tpu.memory_space<hbm>>
      %dma_start3A_299 = arith.constant 99968 : i32
      %dma_start3A_300 = tpu.memref_slice %arg3[%mul3A_32, %dma_start3A_299] : memref<64x100000xf32, #tpu.memory_space<hbm>> -> memref<8x32xf32, #tpu.memory_space<hbm>>
      tpu.enqueue_dma source(%arg8 : memref<8x32xf32, #tpu.memory_space<vmem>>) target(%dma_start3A_300 : memref<8x32xf32, #tpu.memory_space<hbm>>) target_semaphore(%arg13 : memref<!tpu.dma_semaphore, #tpu.memory_space<semaphore_mem>>)
      %dma_wait3A_301 = arith.constant 99968 : i32
      %dma_wait3A_302 = tpu.memref_slice %arg3[%mul3A_32, %dma_wait3A_301] : memref<64x100000xf32, #tpu.memory_space<hbm>> -> memref<8x32xf32, #tpu.memory_space<hbm>>
      %dma_wait3A_303 = arith.constant 99968 : i32
      %dma_wait3A_304 = tpu.memref_slice %arg3[%mul3A_32, %dma_wait3A_303] : memref<64x100000xf32, #tpu.memory_space<hbm>> -> memref<8x32xf32, #tpu.memory_space<hbm>>
      tpu.wait_dma2 semaphore(%arg13 : memref<!tpu.dma_semaphore, #tpu.memory_space<semaphore_mem>>) src(%arg8 : memref<8x32xf32, #tpu.memory_space<vmem>>) dst(%dma_wait3A_304 : memref<8x32xf32, #tpu.memory_space<hbm>>)
    } else {
    }
    return
  }
}

</mosaic_0001>

<sc_bundles>
// kernel: kernel.3.cloned.1.call-start
scs
__scs_entry_jumppad:
0x0: {  	(pc) =	sbr.rel $0x88, $3  }
0x1: {  	(tag) =	ssettag $0x0;
	lr =	simm.s32 $0x1  }
0x2: {  	[smem:$0x3FA0] =	sst lr;
	_ =	strace $0xD0000000  }
0x3: {  	_ = 	snop  }
0x4: {  	_ = 	snop  }
0x5: {  	_ = 	snop  }
0x6: {  	_ = 	snop  }
0x7: {  	_ = 	snop  }
__scs_overlays_trampoline_lowered:
0x8: {  	[smem:$0x3FAF] =	sst s0  }
0x9: {  	[smem:$0x3FB0] =	sst s1  }
0xa: {  	[smem:$0x3FB1] =	sst s2  }
0xb: {  	[smem:$0x3FB2] =	sst s3  }
0xc: {  	[smem:$0x3FB3] =	sst s4  }
0xd: {  	[smem:$0x3FB4] =	sst s5  }
0xe: {  	[smem:$0x3FB5] =	sst s6  }
0xf: {  	[smem:$0x3FB6] =	sst s7  }
0x10: {  	[smem:$0x3FB7] =	sst s8  }
0x11: {  	[smem:$0x3FB8] =	sst s9;
	s0 =	simm.s32 @!p0 $0x0  }
0x12: {  	s1 =	sld [smem:$0x3F9E];
	s0 =	simm.s32 @p0 $0x1  }
0x13: {  	[smem:$0x3FB9] =	sst s0;
	s0 =	simm.s32 @!p1 $0x0  }
0x14: {  	s2 =	sld [smem:$0x3F9D];
	s0 =	simm.s32 @p1 $0x1  }
0x15: {  	[smem:$0x3FBA] =	sst s0;
	s0 =	simm.s32 @!p2 $0x0  }
0x16: {  	s3 =	sld [smem:$0x3FDB];
	s0 =	simm.s32 @p2 $0x1  }
0x17: {  	s4 =	simm.s32 $0x1BF5;
	[smem:$0x3FBC] =	sst s0  }
0x18: {  	s0 =	sld [smem:$0x3F9F];
	_ =	swait.ge [sflag:s4], $0x0  }
0x19: {  	s7 =	sld [smem:$0x3FA0]  }
0x1a: {  	s8 =	sadd.s32 $0xFFFFE003, lr  }
0x1b: {  	s9 =	sadd.s32 $0xFFFFFEF7, lr;
	s5 =	simm.s32 $0xFFFFFFFF;
	p2 =	slt.u32 s8, $0xFFFFF086  }
0x1c: {  	p1 =	slt.u32 s9, $0xF7A;
	s5 =	simm.s32 @!p2 $0x0  }
0x1d: {  	s5 =	simm.s32 @p1 $0x1;
	p0 =	seq.s32 s7, s2  }
0x1e: {  	s7 =	smul.u32 @!p0 $0xF7A, s2;
	p2 =	seq.s32 @!p0 s5, $0x0  }
0x1f: {  	s9 =	smul.u32 $0xF7A, s1;
	s8 =	simm.s32 @!p0 $0x1BF5;
	p2 =	por !p2, p0  }
0x20: {  	[sflag:s8] =	ssyncset.s32 @!p0 $0xFFFFF086;
	s6 =	sadd.s32 @!p0 s3, s7;
	s7 =	simm.s32 @!p0 $0x108  }
0x21: {  	s3 =	sadd.s32 s3, s9;
	s6 =	sadd.s32 @!p0 $0x88, s6;
	s7 =	simm.s32 @p2 $0x1082  }
0x22: {  	[simem:s7], [sflag:s8] =	dma.local @!p0 [hbm:s6], $0xF7A  }
0x23: {  	s9 =	sor.u32 $0xD0000000, s2;
	s6 =	simm.s32 $0x108;
	_ =	swait.ge @!p0 [sflag:s8], $0x0  }
0x24: {  	s3 =	sadd.s32 $0x88, s3;
	s6 =	simm.s32 @!p1 $0x1082;
	[sflag:s4] =	ssyncset.s32 $0xFFFFF086  }
0x25: {  	[simem:s6], [sflag:s4] =	dma.local [hbm:s3], $0xF7A  }
0x26: {  	[smem:$0x3FA0] =	sst s1;
	(tag) =	ssettag s2;
	_ =	strace s9  }
0x27: {  	s1 =	sld [smem:$0x3FB0]  }
0x28: {  	s2 =	sld [smem:$0x3FB1]  }
0x29: {  	s4 =	sld [smem:$0x3FB3]  }
0x2a: {  	p0 =	seq.s32 s5, $0x0;
	s5 =	sld [smem:$0x3FB4]  }
0x2b: {  	s6 =	sld [smem:$0x3FB5]  }
0x2c: {  	s7 =	sld [smem:$0x3FB6]  }
0x2d: {  	s3 =	simm.s32 $0x108;
	s8 =	sld [smem:$0x3FB7]  }
0x2e: {  	s3 =	simm.s32 @!p0 $0x1082;
	s9 =	sld [smem:$0x3FB8]  }
0x2f: {  	lr =	sadd.s32 s0, s3;
	s0 =	sld [smem:$0x3FAF]  }
0x30: {  	s3 =	sld [smem:$0x3FB2]  }
0x31: {  	[smem:$0x3FBB] =	sst s10  }
0x32: {  	s10 =	sld [smem:$0x3FB9];
	_ =	sdelay $0x3  }
0x33: {  	p0 =	seq.s32 s10, $0x1;
	s10 =	sld [smem:$0x3FBB];
	_ =	sdelay $0x3  }
0x34: {  	[smem:$0x3FBB] =	sst s10  }
0x35: {  	s10 =	sld [smem:$0x3FBA];
	_ =	sdelay $0x3  }
0x36: {  	p1 =	seq.s32 s10, $0x1;
	s10 =	sld [smem:$0x3FBB];
	_ =	sdelay $0x3  }
0x37: {  	[smem:$0x3FBB] =	sst s10  }
0x38: {  	s10 =	sld [smem:$0x3FBC]  }
0x39: {  	_ = 	snop;
	(pc) =	sbr.ind lr, $3  }
0x3a: {  	_ = 	snop  }
0x3b: {  	_ = 	snop  }
0x3c: {  	p2 =	seq.s32 s10, $0x1;
	s10 =	sld [smem:$0x3FBB]  }
0x3d: {  	_ =	shalt  }
0x3e: {  	_ =	shalt  }
0x3f: {  	_ =	shalt  }
0x40: {  	_ =	shalt  }
0x41: {  	_ =	shalt  }
0x42: {  	_ =	shalt  }
0x43: {  	_ =	shalt  }
0x44: {  	_ =	shalt  }
0x45: {  	_ =	shalt  }
0x46: {  	_ =	shalt  }
0x47: {  	_ =	shalt  }
0x48: {  	_ =	shalt  }
0x49: {  	_ =	shalt  }
0x4a: {  	_ =	shalt  }
0x4b: {  	_ =	shalt  }
0x4c: {  	_ =	shalt  }
0x4d: {  	_ =	shalt  }
0x4e: {  	_ =	shalt  }
0x4f: {  	_ =	shalt  }
0x50: {  	_ =	shalt  }
0x51: {  	_ =	shalt  }
0x52: {  	_ =	shalt  }
0x53: {  	_ =	shalt  }
0x54: {  	_ =	shalt  }
0x55: {  	_ =	shalt  }
0x56: {  	_ =	shalt  }
0x57: {  	_ =	shalt  }
0x58: {  	_ =	shalt  }
0x59: {  	_ =	shalt  }
0x5a: {  	_ =	shalt  }
0x5b: {  	_ =	shalt  }
0x5c: {  	_ =	shalt  }
0x5d: {  	_ =	shalt  }
0x5e: {  	_ =	shalt  }
0x5f: {  	_ =	shalt  }
0x60: {  	_ =	shalt  }
0x61: {  	_ =	shalt  }
0x62: {  	_ =	shalt  }
0x63: {  	_ =	shalt  }
0x64: {  	_ =	shalt  }
0x65: {  	_ =	shalt  }
0x66: {  	_ =	shalt  }
0x67: {  	_ =	shalt  }
0x68: {  	_ =	shalt  }
0x69: {  	_ =	shalt  }
0x6a: {  	_ =	shalt  }
0x6b: {  	_ =	shalt  }
0x6c: {  	_ =	shalt  }
0x6d: {  	_ =	shalt  }
0x6e: {  	_ =	shalt  }
0x6f: {  	_ =	shalt  }
0x70: {  	_ =	shalt  }
0x71: {  	_ =	shalt  }
0x72: {  	_ =	shalt  }
0x73: {  	_ =	shalt  }
0x74: {  	_ =	shalt  }
0x75: {  	_ =	shalt  }
0x76: {  	_ =	shalt  }
0x77: {  	_ =	shalt  }
0x78: {  	_ =	shalt  }
0x79: {  	_ =	shalt  }
0x7a: {  	_ =	shalt  }
0x7b: {  	_ =	shalt  }
0x7c: {  	_ =	shalt  }
0x7d: {  	_ =	shalt  }
0x7e: {  	_ =	shalt  }
0x7f: {  	_ =	shalt  }
0x80: {  	_ =	shalt  }
0x81: {  	_ =	shalt  }
0x82: {  	_ =	shalt  }
0x83: {  	_ =	shalt  }
0x84: {  	_ =	shalt  }
0x85: {  	_ =	shalt  }
0x86: {  	_ =	shalt  }
0x87: {  	_ =	shalt  }
.Lfunc_end0:
.L_simem_size_0:
called_computation_lowered:
.L_overlay_start_0:
0x88: {  	s2 =	sld [smem:$0x3FD9]  }
0x89: {  	s3 =	sld [smem:$0x3FFE];
	_ =	sdelay $0x1  }
0x8a: {  	s1 =	srdreg.scid  }
0x8b: {  	s0 =	sand.u32 $0x1, s1  }
0x8c: {  	s18 =	sshll.u32 s0, $0xA;
	s2 =	sadd.s32 s3, s2  }
0x8d: {  	s2 =	sadd.s32 s2, s18  }
0x8e: {  	[smem:$0x3FC7] =	sst s2  }
0x8f: {  	_ = 	snop  }
0x90: {  	s2 =	sld [smem:$0x3FC9]  }
0x91: {  	s19 =	sld [smem:$0x3FD0];
	(tm) =	ssettm $0x1  }
0x92: {  	s4 =	sld [smem:$0x3FFB];
	_ =	sdelay $0x3  }
0x93: {  	_ =	strace s4  }
0x94: {  	s4 =	sld [smem:$0x3FFC];
	_ =	sdelay $0x3  }
0x95: {  	_ =	strace s4  }
0x96: {  	s4 =	sld [smem:$0x3FFD];
	_ =	sdelay $0x3  }
0x97: {  	_ =	strace s4  }
0x98: {  	_ =	strace $0x8FFFFFFF  }
0x99: {  	s20 =	sld [smem:$0x3FDB];
	_ =	sdelay $0x1  }
0x9a: {  	s5 =	simm.s32 $_scs_section_size  }
0x9b: {  	s6 =	simm.s32 $_size__tile_overlayer_lowered;
	s7 =	simm.s32 $_tile_overlayer_lowered  }
0x9c: {  	s23 =	simm.s32 $0x1BFF;
	s22 =	sshll.u32 s7, $0x1;
	s4 =	sadd.s32 s5, s20  }
0x9d: {  	s8 =	simm.s32 $0x0;
	s21 =	sshll.u32 s6, $0x1;
	s6 =	sadd.s32 s22, s4  }
0x9e: {  	[timem:s8], [sflag:s23] =	dma.local [hbm:s6], s21  }
0x9f: {  	_ =	swait.ge [sflag:s23], s21  }
0xa0: {  	s5 =	ssub.s32 $0x0, s21;
	[sflag:s23] =	ssyncset.done $0x0  }
0xa1: {  	[sflag:s23] =	ssyncadd.s32 s5;
	_ =	sdelay $0x1  }
0xa2: {  	s24 =	simm.s32 $0x1B8B  }
0xa3: {  	_ =	swait.ge [sflag:s24], $0x1  }
0xa4: {  	[sflag:s24] =	ssyncset.done $0x0  }
0xa5: {  	s25 =	simm.s32 $0x1B8E;
	[sflag:s24] =	ssyncadd.s32 $0xFFFFFFFF  }
0xa6: {  	s26 =	simm.s32 $execute0_lowered;
	[smem:$0x3FD2] =	sst s25  }
0xa7: {  	s5 =	sshll.u32 s26, $0x1;
	_ =	strace $0x80000046;
	[dreg:$0x1] =	wrdreg $0xFFFFFFFF  }
0xa8: {  	s28 =	simm.s32 $_size_execute0_lowered;
	s4 =	sadd.s32 s4, s5;
	[dreg:$0x0] =	wrdreg $0x0  }
0xa9: {  	s5 =	sshll.u32 s28, $0x1;
	[dreg:$0x2] =	wrdreg s4  }
0xaa: {  	[dreg:$0x3] =	wrdreg s5  }
0xab: {  	[dreg:$0x4] =	wrdreg $0xC0  }
0xac: {  	_ =	task [dreg:s8], $0x5FFFF  }
0xad: {  	[dreg:$0x1] =	wrdreg $0xFFFFFFFF  }
0xae: {  	[dreg:$0x0] =	wrdreg $0x60  }
0xaf: {  	[dreg:$0x2] =	wrdreg s2  }
0xb0: {  	[dreg:$0x3] =	wrdreg s19  }
0xb1: {  	[dreg:$0x4] =	wrdreg $0x9  }
0xb2: {  	_ =	task.clear_ibuf [dreg:s8], $0x5FFFF;
	_ =	strace $0x90000046  }
0xb3: {  	s29 =	simm.s32 $0x9;
	_ =	strace $0x80000048  }
0xb4: {  	_ =	swait.ge [sflag:s29], $0x1  }
0xb5: {  	[sflag:s29] =	ssyncadd.s32 $0xFFFFFFFF  }
0xb6: {  	_ =	strace $0x90000048  }
0xb7: {  	_ =	sfence  }
0xb8: {  	s30 =	sld [smem:$0x0];
	_ =	sdelay $0x2  }
0xb9: {  	s31 =	sshll.u32 s1, $0xD;
	s1 =	sshrl.u32 s1, $0x2  }
0xba: {  	s3 =	sand.u32 $0x4000, s31;
	s1 =	sadd.s32 s1, s30  }
0xbb: {  	s0 =	sor.u32 s3, s0;
	s1 =	sshll.u32 s1, $0x11  }
0xbc: {  	s0 =	sor.u32 s1, s0  }
0xbd: {  	s0 =	sadd.s32 $0x8F2B, s0  }
0xbe: {  	[sflag:s0] =	ssyncadd.remote.s32 $0x1  }
0xbf: {  	_ =	sfence.sel $0xFFFF  }
0xc0: {  	[dreg:$0x0] =	wrdreg $0xFFFFFFFF;
	(pc) =	sbr.abs _section_cstart, $3  }
0xc1: {  	[dreg:$0x1] =	wrdreg $0xFFFFFFFF  }
0xc2: {  	_ =	task.clear_ibuf [dreg:s8], $0x2FFFF;
	_ =	strace $0x9FFFFFFF  }
0xc3: {  	(tm) =	ssettm $0x7FFFFFFF  }
tec
execute0_lowered:
.L_overlay_start_1:
0x0: {  	(tag) =	ssettag $0x1  }
0x1: {  	s16 =	stileid.u32  }
0x2: {  	s0 =	srdreg.scid;
	s1 =	sshll.u32 s16, $0x1  }
0x3: {  	s0 =	sand.u32 $0x1, s0;
	s1 =	sand.u32 $0x6, s1  }
0x4: {  	s1 =	sor.u32 s0, s1  }
0x5: {  	s1 =	smul.u32 $0xC3800, s1;
	_ =	sdelay $0x1  }
0x6: {  	s8 =	rddreg [dreg:$0x0];
	s5 =	sshrl.u32 s1, $0x3  }
0x7: {  	s13 =	rddreg [dreg:$0x1];
	s0 =	ssub.s32 $0x2, s0;
	s15 =	sadd.s32 $0x12500, s5  }
0x8: {  	s2 =	sshrl.u32 s0, $0x1;
	s1 =	sadd.s32 $0x12880, s5;
	s17 =	sadd.s32 s8, s15  }
0x9: {  	s19 =	sadd.s32 $0x12F80, s5;
	s18 =	sadd.s32 s8, s1;
	[dreg:$0x3] =	wrdreg s17  }
0xa: {  	s20 =	sadd.s32 $0x13D80, s5;
	s3 =	sadd.s32 s8, s19;
	[dreg:$0x4] =	wrdreg s18  }
0xb: {  	s14 =	ssub.s32 s0, s2;
	s6 =	sadd.s32 s8, s20;
	[dreg:$0x5] =	wrdreg s3  }
0xc: {  	s4 =	sadd.s32 $0x14B80, s5;
	s0 =	sadd.s32 s13, s15;
	[dreg:$0x6] =	wrdreg s6  }
0xd: {  	s21 =	sadd.s32 s8, s4;
	[dreg:$0x7] =	wrdreg s0  }
0xe: {  	s23 =	sadd.s32 $0x15980, s5;
	s22 =	sadd.s32 s13, s1;
	[dreg:$0x8] =	wrdreg s21  }
0xf: {  	s25 =	sadd.s32 s8, s23;
	[dreg:$0x9] =	wrdreg s22  }
0x10: {  	s24 =	sadd.s32 $0x16780, s5;
	s2 =	sadd.s32 s13, s19;
	[dreg:$0xa] =	wrdreg s25  }
0x11: {  	s26 =	sadd.s32 s8, s24;
	[dreg:$0xb] =	wrdreg s2  }
0x12: {  	s28 =	sadd.s32 s13, s20;
	[dreg:$0xc] =	wrdreg s26  }
0x13: {  	s7 =	sadd.s32 $0x17F80, s5;
	s4 =	sadd.s32 s13, s4;
	[dreg:$0xd] =	wrdreg s28  }
0x14: {  	s10 =	sadd.s32 s8, s7;
	[dreg:$0xf] =	wrdreg s4  }
0x15: {  	s11 =	sadd.s32 s13, s24;
	[dreg:$0x10] =	wrdreg s10  }
0x16: {  	s0 =	sadd.s32 s13, s23;
	[dreg:$0x12] =	wrdreg s11  }
0x17: {  	s12 =	sadd.s32 $0x18680, s5;
	s17 =	sadd.s32 s13, s7;
	[dreg:$0x11] =	wrdreg s0  }
0x18: {  	s19 =	sadd.s32 $0xC380, s5;
	s18 =	sadd.s32 s8, s12;
	[dreg:$0x14] =	wrdreg s17  }
0x19: {  	s20 =	sadd.s32 $0xC700, s5;
	s21 =	sadd.s32 s8, s19;
	[dreg:$0x15] =	wrdreg s18  }
0x1a: {  	s22 =	sadd.s32 s8, s20;
	[dreg:$0x17] =	wrdreg s21  }
0x1b: {  	s24 =	sadd.s32 $0xCE00, s5;
	s23 =	sadd.s32 s13, s20;
	[dreg:$0x19] =	wrdreg s22  }
0x1c: {  	s3 =	sadd.s32 $0x17580, s5;
	s26 =	sadd.s32 s8, s24;
	[dreg:$0x1a] =	wrdreg s23  }
0x1d: {  	s9 =	sadd.s32 s8, s3;
	[dreg:$0x1b] =	wrdreg s26  }
0x1e: {  	s15 =	sadd.s32 s13, s3;
	[dreg:$0xe] =	wrdreg s9  }
0x1f: {  	s25 =	sadd.s32 $0xDC00, s5;
	s0 =	sadd.s32 s13, s12;
	[dreg:$0x13] =	wrdreg s15  }
0x20: {  	s28 =	sadd.s32 s8, s25;
	[dreg:$0x16] =	wrdreg s0  }
0x21: {  	s4 =	sadd.s32 $0xF800, s5;
	s2 =	sadd.s32 s13, s25;
	[dreg:$0x1d] =	wrdreg s28  }
0x22: {  	s10 =	sadd.s32 $0x10600, s5;
	s7 =	sadd.s32 s8, s4;
	[dreg:$0x1e] =	wrdreg s2  }
0x23: {  	s11 =	sadd.s32 $0x11400, s5;
	s12 =	sadd.s32 s8, s10;
	[smem:$0x7E2] =	sst s7  }
0x24: {  	s14 =	smax.u32 s14, $0x1;
	s17 =	sadd.s32 s13, s11;
	[smem:$0x7E4] =	sst s12  }
0x25: {  	s3 =	sadd.s32 $0xEA00, s5;
	s0 =	sadd.s32 s13, s19;
	[smem:$0x7E7] =	sst s17  }
0x26: {  	s1 =	sadd.s32 $0x7A80, s5;
	s6 =	sadd.s32 s8, s3;
	[dreg:$0x18] =	wrdreg s0  }
0x27: {  	s18 =	sadd.s32 $0x11E00, s5;
	s9 =	sadd.s32 s13, s4;
	[dreg:$0x1f] =	wrdreg s6  }
0x28: {  	s23 =	sadd.s32 $0x6580, s5;
	s15 =	sadd.s32 s8, s11;
	[smem:$0x7E3] =	sst s9  }
0x29: {  	s19 =	sadd.s32 $0x6200, s5;
	s20 =	sadd.s32 s8, s18;
	[smem:$0x7E6] =	sst s15  }
0x2a: {  	s25 =	sadd.s32 s8, s23;
	s4 =	sadd.s32 s8, s1;
	[smem:$0x7E8] =	sst s20  }
0x2b: {  	s17 =	sadd.s32 $0xB280, s5;
	s0 =	sadd.s32 s13, s24;
	[smem:$0x7EC] =	sst s25  }
0x2c: {  	s21 =	sadd.s32 s8, s19;
	s22 =	sadd.s32 s13, s19;
	[smem:$0x7F0] =	sst s4  }
0x2d: {  	s24 =	sadd.s32 $0x6C80, s5;
	s9 =	sadd.s32 $0x9680, s5;
	[dreg:$0x1c] =	wrdreg s0  }
0x2e: {  	s19 =	sadd.s32 s8, s17;
	s25 =	sadd.s32 $0x1880, s5;
	[smem:$0x7EA] =	sst s21  }
0x2f: {  	s4 =	sadd.s32 s13, s5;
	s0 =	sadd.s32 s13, s3;
	[smem:$0x7EB] =	sst s22  }
0x30: {  	s26 =	sadd.s32 s8, s24;
	s28 =	sadd.s32 s13, s24;
	[smem:$0x7F8] =	sst s19  }
0x31: {  	s3 =	sadd.s32 $0x8880, s5;
	s11 =	sadd.s32 s8, s9;
	[smem:$0x7E1] =	sst s0  }
0x32: {  	s22 =	sadd.s32 $0x380, s5;
	s31 =	sadd.s32 s8, s25;
	[smem:$0x7EE] =	sst s26  }
0x33: {  	s19 =	simm.s32 $0x5;
	s0 =	sadd.s32 s13, s10;
	[smem:$0x7EF] =	sst s28  }
0x34: {  	s6 =	sadd.s32 s8, s3;
	s7 =	sadd.s32 s13, s3;
	s10 =	sadd.s32 $0xA480, s5  }
0x35: {  	[smem:$0x7F4] =	sst s11;
	s24 =	sadd.s32 s8, s22;
	s26 =	sadd.s32 $0x2680, s5  }
0x36: {  	s3 =	sadd.s32 s8, s5;
	s11 =	sadd.s32 $0x5080, s5;
	[smem:$0x7E5] =	sst s0  }
0x37: {  	s28 =	sshrl.u32 s16, $0x2;
	s16 =	simm.s32 $0xE000;
	[smem:$0x7F2] =	sst s6  }
0x38: {  	s0 =	sadd.s32 s13, s18;
	[smem:$0x7F3] =	sst s7;
	s12 =	sadd.s32 s8, s10  }
0x39: {  	s15 =	sadd.s32 s13, s10;
	s18 =	sadd.s32 $0xBC80, s5;
	[smem:$0x7FC] =	sst s24  }
0x3a: {  	s2 =	sadd.s32 s13, s26;
	s10 =	sadd.s32 $0x4280, s5;
	s7 =	sadd.s32 s8, s11  }
0x3b: {  	s11 =	sadd.s32 s13, s11;
	p0 =	sgt.s32 s28, $0x1;
	[smem:$0x7E9] =	sst s0  }
0x3c: {  	p1 =	seq.s32 s28, $0x0;
	p2 =	seq.s32 s28, $0x2;
	[smem:$0x7F6] =	sst s12  }
0x3d: {  	s24 =	simm.s32 $0x4;
	s0 =	sadd.s32 s13, s23;
	[smem:$0x7F7] =	sst s15  }
0x3e: {  	s20 =	sadd.s32 s8, s18;
	s21 =	sadd.s32 s13, s18;
	s23 =	sadd.s32 $0xA80, s5  }
0x3f: {  	s15 =	sadd.s32 $0x5B00, s5;
	s6 =	sadd.s32 s8, s10;
	[smem:$0x7ED] =	sst s0  }
0x40: {  	s10 =	sadd.s32 s13, s10;
	s12 =	simm.s32 $0x0;
	[smem:$0x7FA] =	sst s20  }
0x41: {  	s18 =	simm.s32 $0x1;
	s0 =	sadd.s32 s13, s1;
	[smem:$0x7FB] =	sst s21  }
0x42: {  	s29 =	sadd.s32 s8, s23;
	s30 =	sadd.s32 s13, s23;
	s1 =	sadd.s32 s8, s26  }
0x43: {  	[smem:$0x7FF] =	sst s12;
	s20 =	simm.s32 $0x2;
	s21 =	simm.s32 $0x6  }
0x44: {  	s23 =	simm.s32 $0x7;
	[smem:$0x7F1] =	sst s0;
	s0 =	sadd.s32 s13, s9  }
0x45: {  	s26 =	simm.s32 $0x1C000;
	s9 =	sadd.s32 $0x3480, s5;
	[smem:$0x7F5] =	sst s0  }
.Ltmp0:
0x46: {  	s0 =	sadd.s32 s13, s17;
	s5 =	sadd.s32 s8, s9;
	(pc) =	sbr.rel .LBB2_1-.Ltmp0, $4  }
0x47: {  	s8 =	sadd.s32 s8, s15;
	s9 =	sadd.s32 s13, s9;
	s17 =	simm.s32 $0x15000  }
0x48: {  	[smem:$0x7F9] =	sst s0;
	s0 =	sadd.s32 s13, s22;
	s22 =	simm.s32 $0x3  }
0x49: {  	[smem:$0x7FD] =	sst s0;
	s0 =	sadd.s32 s13, s25;
	s13 =	sadd.s32 s13, s15  }
0x4a: {  	s15 =	simm.s32 $0x7000;
	s25 =	simm.s32 $0x8;
	_ =	strace $0x80000047  }
.LBB2_7:
0x4b: {  	s28 =	rddreg [dreg:$0x3]  }
0x4c: {  	[tilespmem:s12], [sflag:$0x1] =	stream.linear.gather [hbm4b:s28+s12], $0x1C00, $0x38;
	[tilespmem:$0x1C400] =	vst v63  }
0x4d: {  	s28 =	rddreg [dreg:$0x4]  }
0x4e: {  	[tilespmem:s15], [sflag:$0x2] =	stream.linear.gather [hbm4b:s28+s12], $0x3800, $0x38;
	[tilespmem:$0x1C400] =	vst v63  }
0x4f: {  	s28 =	rddreg [dreg:$0x5]  }
0x50: {  	[tilespmem:s16], [sflag:$0x3] =	stream.linear.gather [hbm4b:s28+s12], $0x7000, $0x38;
	[tilespmem:$0x1C400] =	vst v63  }
0x51: {  	s28 =	rddreg [dreg:$0x6]  }
0x52: {  	[tilespmem:s17], [sflag:$0x4] =	stream.linear.gather [hbm4b:s28+s12], $0x7000, $0x38;
	[tilespmem:$0x1C400] =	vst v63  }
0x53: {  	_ =	swait.ge [sflag:s18], $0x1C00  }
0x54: {  	[sflag:s18] =	ssyncset.done $0x0  }
0x55: {  	s28 =	rddreg [dreg:$0x7];
	[sflag:s18] =	ssyncadd.s32 $0xFFFFE400  }
0x56: {  	[hbm4b:s28+s12] =	stream.linear.scatter [tilespmem:s12], [sflag:$0x5], $0x1C00, $0x38;
	[tilespmem:$0x1C400] =	vst v63  }
0x57: {  	_ =	swait.ge [sflag:s19], $0x1C00  }
0x58: {  	[sflag:s19] =	ssyncset.done $0x0  }
0x59: {  	s28 =	rddreg [dreg:$0x8];
	[sflag:s19] =	ssyncadd.s32 $0xFFFFE400  }
0x5a: {  	[tilespmem:s12], [sflag:$0x1] =	stream.linear.gather [hbm4b:s28+s12], $0x7000, $0x38;
	[tilespmem:$0x1C400] =	vst v63  }
0x5b: {  	_ =	swait.ge [sflag:s20], $0x3800  }
0x5c: {  	[sflag:s20] =	ssyncset.done $0x0  }
0x5d: {  	s28 =	rddreg [dreg:$0x9];
	[sflag:s20] =	ssyncadd.s32 $0xFFFFC800  }
0x5e: {  	[hbm4b:s28+s12] =	stream.linear.scatter [tilespmem:s15], [sflag:$0x6], $0x3800, $0x38;
	[tilespmem:$0x1C400] =	vst v63  }
0x5f: {  	_ =	swait.ge [sflag:s21], $0x3800  }
0x60: {  	[sflag:s21] =	ssyncset.done $0x0  }
0x61: {  	s28 =	rddreg [dreg:$0xa];
	[sflag:s21] =	ssyncadd.s32 $0xFFFFC800  }
0x62: {  	[tilespmem:s15], [sflag:$0x2] =	stream.linear.gather [hbm4b:s28+s12], $0x7000, $0x38;
	[tilespmem:$0x1C400] =	vst v63  }
0x63: {  	_ =	swait.ge [sflag:s22], $0x7000  }
0x64: {  	[sflag:s22] =	ssyncset.done $0x0  }
0x65: {  	s28 =	rddreg [dreg:$0xb];
	[sflag:s22] =	ssyncadd.s32 $0xFFFF9000  }
0x66: {  	[hbm4b:s28+s12] =	stream.linear.scatter [tilespmem:s16], [sflag:$0x7], $0x7000, $0x38;
	[tilespmem:$0x1C400] =	vst v63  }
0x67: {  	_ =	swait.ge [sflag:s23], $0x7000  }
0x68: {  	[sflag:s23] =	ssyncset.done $0x0  }
0x69: {  	s28 =	rddreg [dreg:$0xc];
	[sflag:s23] =	ssyncadd.s32 $0xFFFF9000  }
0x6a: {  	[tilespmem:s16], [sflag:$0x3] =	stream.linear.gather [hbm4b:s28+s12], $0x7000, $0x38;
	[tilespmem:$0x1C400] =	vst v63  }
0x6b: {  	_ =	swait.ge [sflag:s24], $0x7000  }
0x6c: {  	[sflag:s24] =	ssyncset.done $0x0  }
0x6d: {  	s28 =	rddreg [dreg:$0xd];
	[sflag:s24] =	ssyncadd.s32 $0xFFFF9000  }
0x6e: {  	[hbm4b:s28+s12] =	stream.linear.scatter [tilespmem:s17], [sflag:$0x8], $0x7000, $0x38;
	[tilespmem:$0x1C400] =	vst v63  }
0x6f: {  	_ =	swait.ge [sflag:s25], $0x7000  }
0x70: {  	[sflag:s25] =	ssyncset.done $0x0  }
0x71: {  	s28 =	rddreg [dreg:$0xe];
	[sflag:s25] =	ssyncadd.s32 $0xFFFF9000  }
0x72: {  	[tilespmem:s17], [sflag:$0x4] =	stream.linear.gather [hbm4b:s28+s12], $0x5000, $0x38;
	[tilespmem:$0x1C400] =	vst v63  }
0x73: {  	_ =	swait.ge [sflag:s18], $0x7000  }
0x74: {  	[sflag:s18] =	ssyncset.done $0x0  }
0x75: {  	s28 =	rddreg [dreg:$0xf];
	[sflag:s18] =	ssyncadd.s32 $0xFFFF9000  }
0x76: {  	[hbm4b:s28+s12] =	stream.linear.scatter [tilespmem:s12], [sflag:$0x5], $0x7000, $0x38;
	[tilespmem:$0x1C400] =	vst v63  }
0x77: {  	_ =	swait.ge [sflag:s19], $0x7000  }
0x78: {  	[sflag:s19] =	ssyncset.done $0x0  }
0x79: {  	s28 =	rddreg [dreg:$0x10];
	[sflag:s19] =	ssyncadd.s32 $0xFFFF9000  }
0x7a: {  	[tilespmem:s12], [sflag:$0x1] =	stream.linear.gather [hbm4b:s28+s12], $0x3800, $0x38;
	[tilespmem:$0x1C400] =	vst v63  }
0x7b: {  	_ =	swait.ge [sflag:s20], $0x7000  }
0x7c: {  	[sflag:s20] =	ssyncset.done $0x0  }
0x7d: {  	s28 =	rddreg [dreg:$0x11];
	[sflag:s20] =	ssyncadd.s32 $0xFFFF9000  }
0x7e: {  	[hbm4b:s28+s12] =	stream.linear.scatter [tilespmem:s15], [sflag:$0x6], $0x7000, $0x38;
	[tilespmem:$0x1C400] =	vst v63  }
0x7f: {  	_ =	swait.ge [sflag:s22], $0x7000  }
0x80: {  	[sflag:s22] =	ssyncset.done $0x0  }
0x81: {  	s28 =	rddreg [dreg:$0x12];
	[sflag:s22] =	ssyncadd.s32 $0xFFFF9000  }
0x82: {  	[hbm4b:s28+s12] =	stream.linear.scatter [tilespmem:s16], [sflag:$0x7], $0x7000, $0x38;
	[tilespmem:$0x1C400] =	vst v63  }
0x83: {  	_ =	swait.ge [sflag:s24], $0x5000  }
0x84: {  	[sflag:s24] =	ssyncset.done $0x0  }
0x85: {  	s28 =	rddreg [dreg:$0x13];
	[sflag:s24] =	ssyncadd.s32 $0xFFFFB000  }
0x86: {  	[hbm4b:s28+s12] =	stream.linear.scatter [tilespmem:s17], [sflag:$0x8], $0x5000, $0x38;
	[tilespmem:$0x1C400] =	vst v63  }
0x87: {  	_ =	swait.ge [sflag:s18], $0x3800  }
0x88: {  	[sflag:s18] =	ssyncset.done $0x0  }
0x89: {  	s28 =	rddreg [dreg:$0x14];
	[sflag:s18] =	ssyncadd.s32 $0xFFFFC800  }
0x8a: {  	[hbm4b:s28+s12] =	stream.linear.scatter [tilespmem:s12], [sflag:$0x5], $0x3800, $0x38;
	[tilespmem:$0x1C400] =	vst v63  }
0x8b: {  	_ =	swait.ge [sflag:s21], $0x7000  }
0x8c: {  	[sflag:s21] =	ssyncset.done $0x0  }
0x8d: {  	[sflag:s21] =	ssyncadd.s32 $0xFFFF9000  }
0x8e: {  	_ =	swait.ge [sflag:s23], $0x7000  }
0x8f: {  	[sflag:s23] =	ssyncset.done $0x0  }
0x90: {  	[sflag:s23] =	ssyncadd.s32 $0xFFFF9000  }
0x91: {  	_ =	swait.ge [sflag:s25], $0x5000  }
0x92: {  	[sflag:s25] =	ssyncset.done $0x0  }
0x93: {  	[sflag:s25] =	ssyncadd.s32 $0xFFFFB000  }
0x94: {  	_ =	swait.ge [sflag:s19], $0x3800  }
0x95: {  	[sflag:s19] =	ssyncset.done $0x0  }
0x96: {  	s28 =	rddreg [dreg:$0x15];
	[sflag:s19] =	ssyncadd.s32 $0xFFFFC800  }
0x97: {  	[tilespmem:s26], [sflag:$0x1] =	stream.linear.gather [hbm4b:s28+s12], $0x400, $0x38;
	[tilespmem:$0x1C400] =	vst v63  }
0x98: {  	_ =	swait.ge [sflag:s18], $0x400  }
0x99: {  	[sflag:s18] =	ssyncset.done $0x0  }
0x9a: {  	s28 =	rddreg [dreg:$0x16];
	[sflag:s18] =	ssyncadd.s32 $0xFFFFFC00  }
0x9b: {  	[hbm4b:s28+s12] =	stream.linear.scatter [tilespmem:s26], [sflag:$0x5], $0x400, $0x38;
	[tilespmem:$0x1C400] =	vst v63  }
0x9c: {  	_ =	swait.ge [sflag:s19], $0x400  }
0x9d: {  	[sflag:s19] =	ssyncset.done $0x0  }
0x9e: {  	[sflag:s19] =	ssyncadd.s32 $0xFFFFFC00  }
.LBB2_8:
0x9f: {  	s14 =	sadd.s32 $0xFFFFFFFF, s14  }
0xa0: {  	p3 =	sne.s32 s14, $0x0  }
.Ltmp1:
0xa1: {  	_ = 	snop;
	(pc) =	sbr.rel @!p3 .LBB2_9-.Ltmp1, $1  }
0xa2: {  	_ =	sdelay $0x3  }
.LBB2_1:
.Ltmp2:
0xa3: {  	(pc) =	sbr.rel @p0 .LBB2_6-.Ltmp2, $1  }
0xa4: {  	_ =	sdelay $0x3  }
.Ltmp3:
0xa5: {  	(pc) =	sbr.rel @!p1 .LBB2_4-.Ltmp3, $1  }
0xa6: {  	_ =	sdelay $0x3  }
0xa7: {  	s28 =	sld [smem:$0x7FC]  }
0xa8: {  	[tilespmem:s12], [sflag:$0x1] =	stream.linear.gather [hbm4b:s3+s12], $0x1C00, $0x38;
	[tilespmem:$0x1C400] =	vst v63  }
0xa9: {  	_ = 	snop  }
0xaa: {  	[tilespmem:s15], [sflag:$0x2] =	stream.linear.gather [hbm4b:s28+s12], $0x3800, $0x38;
	[tilespmem:$0x1C400] =	vst v63  }
0xab: {  	_ = 	snop  }
0xac: {  	[tilespmem:s16], [sflag:$0x3] =	stream.linear.gather [hbm4b:s29+s12], $0x7000, $0x38;
	[tilespmem:$0x1C400] =	vst v63  }
0xad: {  	_ = 	snop  }
0xae: {  	[tilespmem:s17], [sflag:$0x4] =	stream.linear.gather [hbm4b:s31+s12], $0x7000, $0x38;
	[tilespmem:$0x1C400] =	vst v63  }
0xaf: {  	_ =	swait.ge [sflag:s18], $0x1C00  }
0xb0: {  	[sflag:s18] =	ssyncset.done $0x0  }
0xb1: {  	[sflag:s18] =	ssyncadd.s32 $0xFFFFE400  }
0xb2: {  	[hbm4b:s4+s12] =	stream.linear.scatter [tilespmem:s12], [sflag:$0x5], $0x1C00, $0x38;
	[tilespmem:$0x1C400] =	vst v63  }
0xb3: {  	_ =	swait.ge [sflag:s19], $0x1C00  }
0xb4: {  	[sflag:s19] =	ssyncset.done $0x0  }
0xb5: {  	[sflag:s19] =	ssyncadd.s32 $0xFFFFE400  }
0xb6: {  	[tilespmem:s12], [sflag:$0x1] =	stream.linear.gather [hbm4b:s1+s12], $0x7000, $0x38;
	[tilespmem:$0x1C400] =	vst v63  }
0xb7: {  	_ =	swait.ge [sflag:s20], $0x3800  }
0xb8: {  	s28 =	sld [smem:$0x7FD]  }
0xb9: {  	[sflag:s20] =	ssyncset.done $0x0  }
0xba: {  	[sflag:s20] =	ssyncadd.s32 $0xFFFFC800  }
0xbb: {  	[hbm4b:s28+s12] =	stream.linear.scatter [tilespmem:s15], [sflag:$0x6], $0x3800, $0x38;
	[tilespmem:$0x1C400] =	vst v63  }
0xbc: {  	_ =	swait.ge [sflag:s21], $0x3800  }
0xbd: {  	[sflag:s21] =	ssyncset.done $0x0  }
0xbe: {  	[sflag:s21] =	ssyncadd.s32 $0xFFFFC800  }
0xbf: {  	[tilespmem:s15], [sflag:$0x2] =	stream.linear.gather [hbm4b:s5+s12], $0x7000, $0x38;
	[tilespmem:$0x1C400] =	vst v63  }
0xc0: {  	_ =	swait.ge [sflag:s22], $0x7000  }
0xc1: {  	[sflag:s22] =	ssyncset.done $0x0  }
0xc2: {  	[sflag:s22] =	ssyncadd.s32 $0xFFFF9000  }
0xc3: {  	[hbm4b:s30+s12] =	stream.linear.scatter [tilespmem:s16], [sflag:$0x7], $0x7000, $0x38;
	[tilespmem:$0x1C400] =	vst v63  }
0xc4: {  	_ =	swait.ge [sflag:s23], $0x7000  }
0xc5: {  	[sflag:s23] =	ssyncset.done $0x0  }
0xc6: {  	[sflag:s23] =	ssyncadd.s32 $0xFFFF9000  }
0xc7: {  	[tilespmem:s16], [sflag:$0x3] =	stream.linear.gather [hbm4b:s6+s12], $0x7000, $0x38;
	[tilespmem:$0x1C400] =	vst v63  }
0xc8: {  	_ =	swait.ge [sflag:s24], $0x7000  }
0xc9: {  	[sflag:s24] =	ssyncset.done $0x0  }
0xca: {  	[sflag:s24] =	ssyncadd.s32 $0xFFFF9000  }
0xcb: {  	[hbm4b:s0+s12] =	stream.linear.scatter [tilespmem:s17], [sflag:$0x8], $0x7000, $0x38;
	[tilespmem:$0x1C400] =	vst v63  }
0xcc: {  	_ =	swait.ge [sflag:s25], $0x7000  }
0xcd: {  	[sflag:s25] =	ssyncset.done $0x0  }
0xce: {  	[sflag:s25] =	ssyncadd.s32 $0xFFFF9000  }
0xcf: {  	[tilespmem:s17], [sflag:$0x4] =	stream.linear.gather [hbm4b:s7+s12], $0x5400, $0x38;
	[tilespmem:$0x1C400] =	vst v63  }
0xd0: {  	_ =	swait.ge [sflag:s18], $0x7000  }
0xd1: {  	[sflag:s18] =	ssyncset.done $0x0  }
0xd2: {  	[sflag:s18] =	ssyncadd.s32 $0xFFFF9000  }
0xd3: {  	[hbm4b:s2+s12] =	stream.linear.scatter [tilespmem:s12], [sflag:$0x5], $0x7000, $0x38;
	[tilespmem:$0x1C400] =	vst v63  }
0xd4: {  	_ =	swait.ge [sflag:s19], $0x7000  }
0xd5: {  	[sflag:s19] =	ssyncset.done $0x0  }
0xd6: {  	[sflag:s19] =	ssyncadd.s32 $0xFFFF9000  }
0xd7: {  	[tilespmem:s12], [sflag:$0x1] =	stream.linear.gather [hbm4b:s8+s12], $0x3800, $0x38;
	[tilespmem:$0x1C400] =	vst v63  }
0xd8: {  	_ =	swait.ge [sflag:s20], $0x7000  }
0xd9: {  	[sflag:s20] =	ssyncset.done $0x0  }
0xda: {  	[sflag:s20] =	ssyncadd.s32 $0xFFFF9000  }
0xdb: {  	[hbm4b:s9+s12] =	stream.linear.scatter [tilespmem:s15], [sflag:$0x6], $0x7000, $0x38;
	[tilespmem:$0x1C400] =	vst v63  }
0xdc: {  	_ =	swait.ge [sflag:s22], $0x7000  }
0xdd: {  	[sflag:s22] =	ssyncset.done $0x0  }
0xde: {  	[sflag:s22] =	ssyncadd.s32 $0xFFFF9000  }
0xdf: {  	[hbm4b:s10+s12] =	stream.linear.scatter [tilespmem:s16], [sflag:$0x7], $0x7000, $0x38;
	[tilespmem:$0x1C400] =	vst v63  }
0xe0: {  	_ =	swait.ge [sflag:s24], $0x5400  }
0xe1: {  	[sflag:s24] =	ssyncset.done $0x0  }
0xe2: {  	[sflag:s24] =	ssyncadd.s32 $0xFFFFAC00  }
0xe3: {  	[hbm4b:s11+s12] =	stream.linear.scatter [tilespmem:s17], [sflag:$0x8], $0x5400, $0x38;
	[tilespmem:$0x1C400] =	vst v63  }
0xe4: {  	_ =	swait.ge [sflag:s18], $0x3800  }
0xe5: {  	[sflag:s18] =	ssyncset.done $0x0  }
0xe6: {  	[sflag:s18] =	ssyncadd.s32 $0xFFFFC800  }
0xe7: {  	[hbm4b:s13+s12] =	stream.linear.scatter [tilespmem:s12], [sflag:$0x5], $0x3800, $0x38;
	[tilespmem:$0x1C400] =	vst v63  }
0xe8: {  	_ =	swait.ge [sflag:s21], $0x7000  }
0xe9: {  	[sflag:s21] =	ssyncset.done $0x0  }
0xea: {  	[sflag:s21] =	ssyncadd.s32 $0xFFFF9000  }
0xeb: {  	_ =	swait.ge [sflag:s23], $0x7000  }
0xec: {  	[sflag:s23] =	ssyncset.done $0x0  }
0xed: {  	[sflag:s23] =	ssyncadd.s32 $0xFFFF9000  }
0xee: {  	_ =	swait.ge [sflag:s25], $0x5400  }
.Ltmp4:
0xef: {  	[sflag:s25] =	ssyncset.done $0x0;
	(pc) =	sbr.rel .LBB2_8-.Ltmp4, $4  }
0xf0: {  	[sflag:s25] =	ssyncadd.s32 $0xFFFFAC00  }
0xf1: {  	_ =	swait.ge [sflag:s19], $0x3800  }
0xf2: {  	[sflag:s19] =	ssyncset.done $0x0  }
0xf3: {  	[sflag:s19] =	ssyncadd.s32 $0xFFFFC800  }
.LBB2_6:
.Ltmp5:
0xf4: {  	(pc) =	sbr.rel @!p2 .LBB2_7-.Ltmp5, $1  }
0xf5: {  	_ =	sdelay $0x3  }
0xf6: {  	s28 =	rddreg [dreg:$0x17]  }
0xf7: {  	[tilespmem:s12], [sflag:$0x1] =	stream.linear.gather [hbm4b:s28+s12], $0x1C00, $0x38;
	[tilespmem:$0x1C400] =	vst v63  }
0xf8: {  	s28 =	rddreg [dreg:$0x19]  }
0xf9: {  	[tilespmem:s15], [sflag:$0x2] =	stream.linear.gather [hbm4b:s28+s12], $0x3800, $0x38;
	[tilespmem:$0x1C400] =	vst v63  }
0xfa: {  	s28 =	rddreg [dreg:$0x1b]  }
0xfb: {  	[tilespmem:s16], [sflag:$0x3] =	stream.linear.gather [hbm4b:s28+s12], $0x7000, $0x38;
	[tilespmem:$0x1C400] =	vst v63  }
0xfc: {  	s28 =	rddreg [dreg:$0x1d]  }
0xfd: {  	[tilespmem:s17], [sflag:$0x4] =	stream.linear.gather [hbm4b:s28+s12], $0x7000, $0x38;
	[tilespmem:$0x1C400] =	vst v63  }
0xfe: {  	_ =	swait.ge [sflag:s18], $0x1C00  }
0xff: {  	[sflag:s18] =	ssyncset.done $0x0  }
0x100: {  	s28 =	rddreg [dreg:$0x18];
	[sflag:s18] =	ssyncadd.s32 $0xFFFFE400  }
0x101: {  	[hbm4b:s28+s12] =	stream.linear.scatter [tilespmem:s12], [sflag:$0x5], $0x1C00, $0x38;
	[tilespmem:$0x1C400] =	vst v63  }
0x102: {  	_ =	swait.ge [sflag:s19], $0x1C00  }
0x103: {  	[sflag:s19] =	ssyncset.done $0x0  }
0x104: {  	s28 =	rddreg [dreg:$0x1f];
	[sflag:s19] =	ssyncadd.s32 $0xFFFFE400  }
0x105: {  	[tilespmem:s12], [sflag:$0x1] =	stream.linear.gather [hbm4b:s28+s12], $0x7000, $0x38;
	[tilespmem:$0x1C400] =	vst v63  }
0x106: {  	_ =	swait.ge [sflag:s20], $0x3800  }
0x107: {  	[sflag:s20] =	ssyncset.done $0x0  }
0x108: {  	s28 =	rddreg [dreg:$0x1a];
	[sflag:s20] =	ssyncadd.s32 $0xFFFFC800  }
0x109: {  	[hbm4b:s28+s12] =	stream.linear.scatter [tilespmem:s15], [sflag:$0x6], $0x3800, $0x38;
	[tilespmem:$0x1C400] =	vst v63  }
0x10a: {  	_ =	swait.ge [sflag:s21], $0x3800  }
0x10b: {  	s28 =	sld [smem:$0x7E2]  }
0x10c: {  	[sflag:s21] =	ssyncset.done $0x0  }
0x10d: {  	[sflag:s21] =	ssyncadd.s32 $0xFFFFC800  }
0x10e: {  	[tilespmem:s15], [sflag:$0x2] =	stream.linear.gather [hbm4b:s28+s12], $0x7000, $0x38;
	[tilespmem:$0x1C400] =	vst v63  }
0x10f: {  	_ =	swait.ge [sflag:s22], $0x7000  }
0x110: {  	[sflag:s22] =	ssyncset.done $0x0  }
0x111: {  	s28 =	rddreg [dreg:$0x1c];
	[sflag:s22] =	ssyncadd.s32 $0xFFFF9000  }
0x112: {  	[hbm4b:s28+s12] =	stream.linear.scatter [tilespmem:s16], [sflag:$0x7], $0x7000, $0x38;
	[tilespmem:$0x1C400] =	vst v63  }
0x113: {  	_ =	swait.ge [sflag:s23], $0x7000  }
0x114: {  	s28 =	sld [smem:$0x7E4]  }
0x115: {  	[sflag:s23] =	ssyncset.done $0x0  }
0x116: {  	[sflag:s23] =	ssyncadd.s32 $0xFFFF9000  }
0x117: {  	[tilespmem:s16], [sflag:$0x3] =	stream.linear.gather [hbm4b:s28+s12], $0x7000, $0x38;
	[tilespmem:$0x1C400] =	vst v63  }
0x118: {  	_ =	swait.ge [sflag:s24], $0x7000  }
0x119: {  	[sflag:s24] =	ssyncset.done $0x0  }
0x11a: {  	s28 =	rddreg [dreg:$0x1e];
	[sflag:s24] =	ssyncadd.s32 $0xFFFF9000  }
0x11b: {  	[hbm4b:s28+s12] =	stream.linear.scatter [tilespmem:s17], [sflag:$0x8], $0x7000, $0x38;
	[tilespmem:$0x1C400] =	vst v63  }
0x11c: {  	_ =	swait.ge [sflag:s25], $0x7000  }
0x11d: {  	s28 =	sld [smem:$0x7E6]  }
0x11e: {  	[sflag:s25] =	ssyncset.done $0x0  }
0x11f: {  	[sflag:s25] =	ssyncadd.s32 $0xFFFF9000  }
0x120: {  	[tilespmem:s17], [sflag:$0x4] =	stream.linear.gather [hbm4b:s28+s12], $0x5000, $0x38;
	[tilespmem:$0x1C400] =	vst v63  }
0x121: {  	_ =	swait.ge [sflag:s18], $0x7000  }
0x122: {  	s28 =	sld [smem:$0x7E1]  }
0x123: {  	[sflag:s18] =	ssyncset.done $0x0  }
0x124: {  	[sflag:s18] =	ssyncadd.s32 $0xFFFF9000  }
0x125: {  	[hbm4b:s28+s12] =	stream.linear.scatter [tilespmem:s12], [sflag:$0x5], $0x7000, $0x38;
	[tilespmem:$0x1C400] =	vst v63  }
0x126: {  	_ =	swait.ge [sflag:s19], $0x7000  }
0x127: {  	s28 =	sld [smem:$0x7E8]  }
0x128: {  	[sflag:s19] =	ssyncset.done $0x0  }
0x129: {  	[sflag:s19] =	ssyncadd.s32 $0xFFFF9000  }
0x12a: {  	[tilespmem:s12], [sflag:$0x1] =	stream.linear.gather [hbm4b:s28+s12], $0x3800, $0x38;
	[tilespmem:$0x1C400] =	vst v63  }
0x12b: {  	_ =	swait.ge [sflag:s20], $0x7000  }
0x12c: {  	s28 =	sld [smem:$0x7E3]  }
0x12d: {  	[sflag:s20] =	ssyncset.done $0x0  }
0x12e: {  	[sflag:s20] =	ssyncadd.s32 $0xFFFF9000  }
0x12f: {  	[hbm4b:s28+s12] =	stream.linear.scatter [tilespmem:s15], [sflag:$0x6], $0x7000, $0x38;
	[tilespmem:$0x1C400] =	vst v63  }
0x130: {  	_ =	swait.ge [sflag:s22], $0x7000  }
0x131: {  	s28 =	sld [smem:$0x7E5]  }
0x132: {  	[sflag:s22] =	ssyncset.done $0x0  }
0x133: {  	[sflag:s22] =	ssyncadd.s32 $0xFFFF9000  }
0x134: {  	[hbm4b:s28+s12] =	stream.linear.scatter [tilespmem:s16], [sflag:$0x7], $0x7000, $0x38;
	[tilespmem:$0x1C400] =	vst v63  }
0x135: {  	_ =	swait.ge [sflag:s24], $0x5000  }
0x136: {  	s28 =	sld [smem:$0x7E7]  }
0x137: {  	[sflag:s24] =	ssyncset.done $0x0  }
0x138: {  	[sflag:s24] =	ssyncadd.s32 $0xFFFFB000  }
0x139: {  	[hbm4b:s28+s12] =	stream.linear.scatter [tilespmem:s17], [sflag:$0x8], $0x5000, $0x38;
	[tilespmem:$0x1C400] =	vst v63  }
0x13a: {  	_ =	swait.ge [sflag:s18], $0x3800  }
0x13b: {  	s28 =	sld [smem:$0x7E9]  }
0x13c: {  	[sflag:s18] =	ssyncset.done $0x0  }
0x13d: {  	[sflag:s18] =	ssyncadd.s32 $0xFFFFC800  }
0x13e: {  	[hbm4b:s28+s12] =	stream.linear.scatter [tilespmem:s12], [sflag:$0x5], $0x3800, $0x38;
	[tilespmem:$0x1C400] =	vst v63  }
0x13f: {  	_ =	swait.ge [sflag:s21], $0x7000  }
0x140: {  	[sflag:s21] =	ssyncset.done $0x0  }
0x141: {  	[sflag:s21] =	ssyncadd.s32 $0xFFFF9000  }
0x142: {  	_ =	swait.ge [sflag:s23], $0x7000  }
0x143: {  	[sflag:s23] =	ssyncset.done $0x0  }
0x144: {  	[sflag:s23] =	ssyncadd.s32 $0xFFFF9000  }
0x145: {  	_ =	swait.ge [sflag:s25], $0x5000  }
.Ltmp6:
0x146: {  	[sflag:s25] =	ssyncset.done $0x0;
	(pc) =	sbr.rel .LBB2_8-.Ltmp6, $4  }
0x147: {  	[sflag:s25] =	ssyncadd.s32 $0xFFFFB000  }
0x148: {  	_ =	swait.ge [sflag:s19], $0x3800  }
0x149: {  	[sflag:s19] =	ssyncset.done $0x0  }
0x14a: {  	[sflag:s19] =	ssyncadd.s32 $0xFFFFC800  }
.LBB2_4:
0x14b: {  	s28 =	sld [smem:$0x7EA];
	_ =	sdelay $0x2  }
0x14c: {  	[tilespmem:s12], [sflag:$0x1] =	stream.linear.gather [hbm4b:s28+s12], $0x1C00, $0x38;
	[tilespmem:$0x1C400] =	vst v63  }
0x14d: {  	s28 =	sld [smem:$0x7EC];
	_ =	sdelay $0x2  }
0x14e: {  	[tilespmem:s15], [sflag:$0x2] =	stream.linear.gather [hbm4b:s28+s12], $0x3800, $0x38;
	[tilespmem:$0x1C400] =	vst v63  }
0x14f: {  	s28 =	sld [smem:$0x7EE];
	_ =	sdelay $0x2  }
0x150: {  	[tilespmem:s16], [sflag:$0x3] =	stream.linear.gather [hbm4b:s28+s12], $0x7000, $0x38;
	[tilespmem:$0x1C400] =	vst v63  }
0x151: {  	s28 =	sld [smem:$0x7F0];
	_ =	sdelay $0x2  }
0x152: {  	[tilespmem:s17], [sflag:$0x4] =	stream.linear.gather [hbm4b:s28+s12], $0x7000, $0x38;
	[tilespmem:$0x1C400] =	vst v63  }
0x153: {  	_ =	swait.ge [sflag:s18], $0x1C00  }
0x154: {  	s28 =	sld [smem:$0x7EB]  }
0x155: {  	[sflag:s18] =	ssyncset.done $0x0  }
0x156: {  	[sflag:s18] =	ssyncadd.s32 $0xFFFFE400  }
0x157: {  	[hbm4b:s28+s12] =	stream.linear.scatter [tilespmem:s12], [sflag:$0x5], $0x1C00, $0x38;
	[tilespmem:$0x1C400] =	vst v63  }
0x158: {  	_ =	swait.ge [sflag:s19], $0x1C00  }
0x159: {  	s28 =	sld [smem:$0x7F2]  }
0x15a: {  	[sflag:s19] =	ssyncset.done $0x0  }
0x15b: {  	[sflag:s19] =	ssyncadd.s32 $0xFFFFE400  }
0x15c: {  	[tilespmem:s12], [sflag:$0x1] =	stream.linear.gather [hbm4b:s28+s12], $0x7000, $0x38;
	[tilespmem:$0x1C400] =	vst v63  }
0x15d: {  	_ =	swait.ge [sflag:s20], $0x3800  }
0x15e: {  	s28 =	sld [smem:$0x7ED]  }
0x15f: {  	[sflag:s20] =	ssyncset.done $0x0  }
0x160: {  	[sflag:s20] =	ssyncadd.s32 $0xFFFFC800  }
0x161: {  	[hbm4b:s28+s12] =	stream.linear.scatter [tilespmem:s15], [sflag:$0x6], $0x3800, $0x38;
	[tilespmem:$0x1C400] =	vst v63  }
0x162: {  	_ =	swait.ge [sflag:s21], $0x3800  }
0x163: {  	s28 =	sld [smem:$0x7F4]  }
0x164: {  	[sflag:s21] =	ssyncset.done $0x0  }
0x165: {  	[sflag:s21] =	ssyncadd.s32 $0xFFFFC800  }
0x166: {  	[tilespmem:s15], [sflag:$0x2] =	stream.linear.gather [hbm4b:s28+s12], $0x7000, $0x38;
	[tilespmem:$0x1C400] =	vst v63  }
0x167: {  	_ =	swait.ge [sflag:s22], $0x7000  }
0x168: {  	s28 =	sld [smem:$0x7EF]  }
0x169: {  	[sflag:s22] =	ssyncset.done $0x0  }
0x16a: {  	[sflag:s22] =	ssyncadd.s32 $0xFFFF9000  }
0x16b: {  	[hbm4b:s28+s12] =	stream.linear.scatter [tilespmem:s16], [sflag:$0x7], $0x7000, $0x38;
	[tilespmem:$0x1C400] =	vst v63  }
0x16c: {  	_ =	swait.ge [sflag:s23], $0x7000  }
0x16d: {  	s28 =	sld [smem:$0x7F6]  }
0x16e: {  	[sflag:s23] =	ssyncset.done $0x0  }
0x16f: {  	[sflag:s23] =	ssyncadd.s32 $0xFFFF9000  }
0x170: {  	[tilespmem:s16], [sflag:$0x3] =	stream.linear.gather [hbm4b:s28+s12], $0x7000, $0x38;
	[tilespmem:$0x1C400] =	vst v63  }
0x171: {  	_ =	swait.ge [sflag:s24], $0x7000  }
0x172: {  	s28 =	sld [smem:$0x7F1]  }
0x173: {  	[sflag:s24] =	ssyncset.done $0x0  }
0x174: {  	[sflag:s24] =	ssyncadd.s32 $0xFFFF9000  }
0x175: {  	[hbm4b:s28+s12] =	stream.linear.scatter [tilespmem:s17], [sflag:$0x8], $0x7000, $0x38;
	[tilespmem:$0x1C400] =	vst v63  }
0x176: {  	_ =	swait.ge [sflag:s25], $0x7000  }
0x177: {  	s28 =	sld [smem:$0x7F8]  }
0x178: {  	[sflag:s25] =	ssyncset.done $0x0  }
0x179: {  	[sflag:s25] =	ssyncadd.s32 $0xFFFF9000  }
0x17a: {  	[tilespmem:s17], [sflag:$0x4] =	stream.linear.gather [hbm4b:s28+s12], $0x5000, $0x38;
	[tilespmem:$0x1C400] =	vst v63  }
0x17b: {  	_ =	swait.ge [sflag:s18], $0x7000  }
0x17c: {  	s28 =	sld [smem:$0x7F3]  }
0x17d: {  	[sflag:s18] =	ssyncset.done $0x0  }
0x17e: {  	[sflag:s18] =	ssyncadd.s32 $0xFFFF9000  }
0x17f: {  	[hbm4b:s28+s12] =	stream.linear.scatter [tilespmem:s12], [sflag:$0x5], $0x7000, $0x38;
	[tilespmem:$0x1C400] =	vst v63  }
0x180: {  	_ =	swait.ge [sflag:s19], $0x7000  }
0x181: {  	s28 =	sld [smem:$0x7FA]  }
0x182: {  	[sflag:s19] =	ssyncset.done $0x0  }
0x183: {  	[sflag:s19] =	ssyncadd.s32 $0xFFFF9000  }
0x184: {  	[tilespmem:s12], [sflag:$0x1] =	stream.linear.gather [hbm4b:s28+s12], $0x3800, $0x38;
	[tilespmem:$0x1C400] =	vst v63  }
0x185: {  	_ =	swait.ge [sflag:s20], $0x7000  }
0x186: {  	s28 =	sld [smem:$0x7F5]  }
0x187: {  	[sflag:s20] =	ssyncset.done $0x0  }
0x188: {  	[sflag:s20] =	ssyncadd.s32 $0xFFFF9000  }
0x189: {  	[hbm4b:s28+s12] =	stream.linear.scatter [tilespmem:s15], [sflag:$0x6], $0x7000, $0x38;
	[tilespmem:$0x1C400] =	vst v63  }
0x18a: {  	_ =	swait.ge [sflag:s22], $0x7000  }
0x18b: {  	s28 =	sld [smem:$0x7F7]  }
0x18c: {  	[sflag:s22] =	ssyncset.done $0x0  }
0x18d: {  	[sflag:s22] =	ssyncadd.s32 $0xFFFF9000  }
0x18e: {  	[hbm4b:s28+s12] =	stream.linear.scatter [tilespmem:s16], [sflag:$0x7], $0x7000, $0x38;
	[tilespmem:$0x1C400] =	vst v63  }
0x18f: {  	_ =	swait.ge [sflag:s24], $0x5000  }
0x190: {  	s28 =	sld [smem:$0x7F9]  }
0x191: {  	[sflag:s24] =	ssyncset.done $0x0  }
0x192: {  	[sflag:s24] =	ssyncadd.s32 $0xFFFFB000  }
0x193: {  	[hbm4b:s28+s12] =	stream.linear.scatter [tilespmem:s17], [sflag:$0x8], $0x5000, $0x38;
	[tilespmem:$0x1C400] =	vst v63  }
0x194: {  	_ =	swait.ge [sflag:s18], $0x3800  }
0x195: {  	s28 =	sld [smem:$0x7FB]  }
0x196: {  	[sflag:s18] =	ssyncset.done $0x0  }
0x197: {  	[sflag:s18] =	ssyncadd.s32 $0xFFFFC800  }
0x198: {  	[hbm4b:s28+s12] =	stream.linear.scatter [tilespmem:s12], [sflag:$0x5], $0x3800, $0x38;
	[tilespmem:$0x1C400] =	vst v63  }
0x199: {  	_ =	swait.ge [sflag:s21], $0x7000  }
0x19a: {  	[sflag:s21] =	ssyncset.done $0x0  }
0x19b: {  	[sflag:s21] =	ssyncadd.s32 $0xFFFF9000  }
0x19c: {  	_ =	swait.ge [sflag:s23], $0x7000  }
0x19d: {  	[sflag:s23] =	ssyncset.done $0x0  }
0x19e: {  	[sflag:s23] =	ssyncadd.s32 $0xFFFF9000  }
0x19f: {  	_ =	swait.ge [sflag:s25], $0x5000  }
.Ltmp7:
0x1a0: {  	[sflag:s25] =	ssyncset.done $0x0;
	(pc) =	sbr.rel .LBB2_8-.Ltmp7, $4  }
0x1a1: {  	[sflag:s25] =	ssyncadd.s32 $0xFFFFB000  }
0x1a2: {  	_ =	swait.ge [sflag:s19], $0x3800  }
0x1a3: {  	[sflag:s19] =	ssyncset.done $0x0  }
0x1a4: {  	[sflag:s19] =	ssyncadd.s32 $0xFFFFC800  }
.LBB2_9:
0x1a5: {  	_ =	sfence.sel $0x180000  }
0x1a6: {  	[bflag:$0x0] =	sbarrier.arrive $0xFFFF  }
0x1a7: {  	_ =	strace $0x90000047  }
0x1a8: {  	s0 =	stileid.u32;
	[bflag:$0x2] =	sbarrier.arrive $0xFFFF  }
0x1a9: {  	p0 =	sne.s32 s0, $0x0;
	s0 =	rddreg [dreg:$0x2]  }
0x1aa: {  	s0 =	sadd.s32 @!p0 $0x100000, s0  }
0x1ab: {  	[sflag:s0] =	ssyncadd.tile.s32 @!p0 $0x1;
	_ =	shalt  }
.Lfunc_end2:
_tile_overlayer_lowered:
.L_overlay_start_2:
0x1ac: {  	(tag) =	ssettag $0x2  }
0x1ad: {  	s0 =	rddreg [dreg:$0x0];
	s2 =	stileid.u32  }
0x1ae: {  	s1 =	rddreg [dreg:$0x1];
	p0 =	sne.s32 s2, $0x0  }
0x1af: {  	s3 =	rddreg [dreg:$0x2];
	[bflag:$0x3] =	sbarrier.arrive $0xFFFF;
	s2 =	simm.s32 @!p0 $0x1C09  }
0x1b0: {  	[timem:s3], [sflag:s2] =	dma.local @!p0 [hbm:s0], s1  }
0x1b1: {  	s0 =	simm.s32 @!p0 $0x9  }
0x1b2: {  	_ =	swait.ge @!p0 [sflag:s0], s1  }
0x1b3: {  	s1 =	ssub.s32 @!p0 $0x0, s1;
	[sflag:s0] =	ssyncset.done @!p0 $0x0  }
0x1b4: {  	[sflag:s0] =	ssyncadd.s32 @!p0 s1  }
0x1b5: {  	[bflag:$0x3] =	sbarrier.arrive $0xFFFF  }
0x1b6: {  	_ =	shalt  }

</sc_bundles>
